<compile_context>
chip_gen: v7x
topology: tpu7x:2x2x1
jax: 0.10.2.dev20260603
libtpu: 0.0.44.dev20260713+nightly
codegen_flags: <defaults>
</compile_context>

<pallas_src>
import functools

import jax
import jax.numpy as jnp
from jax import lax
from jax.experimental import pallas as pl
from jax.experimental.pallas import tpu as pltpu
from jax.experimental.pallas import tpu_sc as plsc

NC = 2
NS = 16
L = 16
K = 128


def _round_up(x, m):
    return (x + m - 1) // m * m


_ZCHUNK = 1024


def _deg_body(src_hbm, dst_hbm, out_hbm, idx_v, deg_v, *, NCH, NPAD):
    c = lax.axis_index("c")
    s = lax.axis_index("s")
    ones = jnp.ones((L,), jnp.float32)
    zeros = jnp.zeros((L,), jnp.float32)
    for a in range(2):
        ei = src_hbm if a == 0 else dst_hbm
        pltpu.sync_copy(ei.at[c, s], idx_v)

        def zbody(i, carry):
            for u in range(8):
                deg_v[pl.ds(pl.multiple_of(i * 8 * L + u * L, L), L)] = zeros
            return carry

        lax.fori_loop(0, NPAD // (8 * L), zbody, None)

        def abody(j, carry):
            for k in range(K // L):
                idx = idx_v[j, pl.ds(k * L, L)]
                plsc.addupdate_scatter(deg_v, [idx], ones)
            return carry

        lax.fori_loop(0, NCH, abody, None)
        pltpu.sync_copy(deg_v, out_hbm.at[c, s, a])


def _make_deg_kernel(NCH, NPAD):
    mesh = plsc.VectorSubcoreMesh(core_axis_name="c", subcore_axis_name="s")
    return pl.kernel(
        functools.partial(_deg_body, NCH=NCH, NPAD=NPAD),
        out_type=jax.ShapeDtypeStruct((NC, NS, 2, NPAD), jnp.float32),
        mesh=mesh,
        compiler_params=pltpu.CompilerParams(needs_layout_passes=False),
        scratch_types=[
            pltpu.VMEM((NCH, K), jnp.int32),
            pltpu.VMEM((NPAD,), jnp.float32),
        ],
    )


def _edge_body(xs_hbm, src_hbm, dst_hbm, out_hbm, src_v, dst_v, rows_v,
               agg_sh, *, NCH0, NCH1, NPAD, D):
    RPT = NPAD // NS
    ZR = 128
    c = lax.axis_index("c")
    s = lax.axis_index("s")
    pltpu.sync_copy(src_hbm.at[c, s], src_v)
    pltpu.sync_copy(dst_hbm.at[c, s], dst_v)

    zeros = jnp.zeros((L,), jnp.float32)

    def zbody(r, carry):
        for k in range(D // L):
            rows_v[r, pl.ds(k * L, L)] = zeros
        return carry

    lax.fori_loop(0, ZR, zbody, None)
    base = s * RPT
    for t in range(RPT // ZR):
        pltpu.sync_copy(rows_v.at[pl.ds(0, ZR)],
                        agg_sh.at[pl.ds(base + t * ZR, ZR)])
    plsc.subcore_barrier()

    def chunk(j, carry):
        pltpu.sync_copy(xs_hbm.at[src_v.at[j]], rows_v)
        pltpu.sync_copy(rows_v, agg_sh.at[dst_v.at[j]], add=True)
        return carry

    nch = jnp.where(c == 0, NCH0, NCH1)
    lax.fori_loop(0, nch, chunk, None)
    plsc.subcore_barrier()
    for t in range(RPT // K):
        sl = pl.ds(base + t * K, K)
        pltpu.sync_copy(agg_sh.at[sl], out_hbm.at[c, sl])


def _make_edge_kernel(NCH0, NCH1, NPAD, D):
    NCHM = max(NCH0, NCH1)
    mesh = plsc.VectorSubcoreMesh(core_axis_name="c", subcore_axis_name="s")
    return pl.kernel(
        functools.partial(_edge_body, NCH0=NCH0, NCH1=NCH1, NPAD=NPAD, D=D),
        out_type=jax.ShapeDtypeStruct((NC, NPAD, D), jnp.float32),
        mesh=mesh,
        compiler_params=pltpu.CompilerParams(needs_layout_passes=False),
        scratch_types=[
            pltpu.VMEM((NCHM, K), jnp.int32),
            pltpu.VMEM((NCHM, K), jnp.int32),
            pltpu.VMEM((K, D), jnp.float32),
            pltpu.VMEM_SHARED((NPAD, D), jnp.float32),
        ],
    )


def _stage1_body(hp_ref, gam_ref, bet_ref, w1_ref, degp_ref, xs_ref, mu_ref,
                 *, N):
    NPAD = hp_ref.shape[0]
    hp = hp_ref[...]
    deg = jnp.sum(degp_ref[...], axis=0)
    norm_out = lax.rsqrt(jnp.maximum(deg[0], 1.0))
    rid = lax.broadcasted_iota(jnp.int32, (NPAD, 1), 0)
    msk = rid < N
    mu = jnp.sum(hp, axis=0, keepdims=True) / N
    xc = jnp.where(msk, hp - mu, 0.0)
    var = jnp.sum(xc * xc, axis=0, keepdims=True) / N
    inv = lax.rsqrt(var + 1e-5)
    hb = xc * inv * gam_ref[...] + bet_ref[...]
    xw = jnp.dot(hb, w1_ref[...], preferred_element_type=jnp.float32)
    xs_ref[...] = xw * norm_out[:, None]
    mu_ref[...] = mu


def _stage2_body(p_ref, hp_ref, gam_ref, bet_ref, w2_ref, b1_ref, degp_ref,
                 h1_ref, xs2_ref, *, N):
    NPAD = hp_ref.shape[0]
    deg = jnp.sum(degp_ref[...], axis=0)
    norm_out = lax.rsqrt(jnp.maximum(deg[0], 1.0))
    norm_in = lax.rsqrt(jnp.maximum(deg[1], 1.0))
    rid = lax.broadcasted_iota(jnp.int32, (NPAD, 1), 0)
    msk = rid < N
    agg = (p_ref[0] + p_ref[1]) * norm_in[:, None] + b1_ref[...]
    h1 = jnp.where(msk, hp_ref[...] + jnp.maximum(agg, 0.0), 0.0)
    mu = jnp.sum(h1, axis=0, keepdims=True) / N
    xc = jnp.where(msk, h1 - mu, 0.0)
    var = jnp.sum(xc * xc, axis=0, keepdims=True) / N
    inv = lax.rsqrt(var + 1e-5)
    hb = xc * inv * gam_ref[...] + bet_ref[...]
    xw = jnp.dot(hb, w2_ref[...], preferred_element_type=jnp.float32)
    h1_ref[...] = h1
    xs2_ref[...] = xw * norm_out[:, None]


def _stage3_body(p_ref, h1_ref, degp_ref, b2_ref, gw_ref, gb_ref, hg_ref,
                 *, N):
    NPAD = h1_ref.shape[0]
    deg = jnp.sum(degp_ref[...], axis=0)
    norm_in = lax.rsqrt(jnp.maximum(deg[1], 1.0))
    rid = lax.broadcasted_iota(jnp.int32, (NPAD, 1), 0)
    msk = rid < N
    agg = (p_ref[0] + p_ref[1]) * norm_in[:, None] + b2_ref[...]
    h2 = jnp.where(msk, h1_ref[...] + jnp.maximum(agg, 0.0), 0.0)
    gate = jnp.sum(h2 * gw_ref[...], axis=1, keepdims=True) + gb_ref[0, 0]
    gate = jnp.where(msk, gate, -1e30)
    m = jnp.max(gate)
    e = jnp.exp(gate - m)
    hg_ref[...] = jnp.sum(e * h2, axis=0, keepdims=True) / jnp.sum(e)


def kernel(h, edge_index, gamma, beta, W1, b1, W2, b2, gate_W, gate_b):
    N, D = h.shape
    E = edge_index.shape[1]
    NW = NC * NS
    NCH = -(-E // (NW * K))
    EP = NW * NCH * K
    NPAD = _round_up(N + 1, NS * 64)

    fill = jnp.full((EP - E,), N, jnp.int32)
    src_rs = jnp.concatenate([edge_index[0], fill]).reshape(NC, NS, NCH, K)
    dst_rs = jnp.concatenate([edge_index[1], fill]).reshape(NC, NS, NCH, K)

    TOT = -(-E // (NS * K))
    NCH0 = int(TOT * 0.49)
    NCH1 = TOT - NCH0
    NCHM = max(NCH0, NCH1)
    cap0 = NS * NCH0 * K
    cap1 = NS * NCH1 * K
    fill_a = jnp.full((cap0 + cap1 - E,), N, jnp.int32)

    def asym(e):
        ep = jnp.concatenate([e, fill_a])
        a0 = ep[:cap0].reshape(NS, NCH0, K)
        a0 = jnp.concatenate(
            [a0, jnp.full((NS, NCHM - NCH0, K), N, jnp.int32)], axis=1)
        a1 = ep[cap0:].reshape(NS, NCH1, K)
        a1 = jnp.concatenate(
            [a1, jnp.full((NS, NCHM - NCH1, K), N, jnp.int32)], axis=1)
        return jnp.stack([a0, a1])

    src_as = asym(edge_index[0])
    dst_as = asym(edge_index[1])

    hp = jnp.zeros((NPAD, D), jnp.float32).at[:N, :].set(h)
    gam = gamma.reshape(1, D)
    bet = beta.reshape(1, D)
    b1r = b1.reshape(1, D)
    b2r = b2.reshape(1, D)
    gw = gate_W.reshape(1, D)
    gb = gate_b.reshape(1, 1)

    degp = _make_deg_kernel(NCH, NPAD)(src_rs, dst_rs)
    degp = degp.reshape(NW, 2, NPAD)

    xs1, mu = pl.pallas_call(
        functools.partial(_stage1_body, N=N),
        out_shape=[jax.ShapeDtypeStruct((NPAD, D), jnp.float32),
                   jax.ShapeDtypeStruct((1, D), jnp.float32)],
    )(hp, gam, bet, W1, degp)

    edge_k = _make_edge_kernel(NCH0, NCH1, NPAD, D)
    p1 = edge_k(xs1, src_as, dst_as)

    h1, xs2 = pl.pallas_call(
        functools.partial(_stage2_body, N=N),
        out_shape=[jax.ShapeDtypeStruct((NPAD, D), jnp.float32),
                   jax.ShapeDtypeStruct((NPAD, D), jnp.float32)],
    )(p1, hp, gam, bet, W2, b1r, degp)

    p2 = edge_k(xs2, src_as, dst_as)

    hg = pl.pallas_call(
        functools.partial(_stage3_body, N=N),
        out_shape=jax.ShapeDtypeStruct((1, D), jnp.float32),
    )(p2, h1, degp, b2r, gw, gb)

    return (hg, mu)

# --- scband reference (transcript-rebuilt; emitter-appended) ---
"""Pipeline reference for scband-gcn-41188736369126 (READ-ONLY COPY).

The authoritative reference and input builder live on the scoring server;
editing this copy changes nothing except your own understanding.
"""

import jax, jax.numpy as jnp
import numpy as np

N = 10000
E = 320000
D = 128


def setup_inputs(seed: int = 0) -> dict:
    key = jax.random.key(seed)
    ks = jax.random.split(key, 10)
    h = jax.random.normal(ks[0], (N, D), dtype=jnp.float32)
    edge_index = jax.random.randint(ks[1], (2, E), 0, N, dtype=jnp.int32)
    s = 1.0 / np.sqrt(D)
    gamma = jnp.ones((D,), dtype=jnp.float32)
    beta = jnp.zeros((D,), dtype=jnp.float32)
    W1 = jax.random.normal(ks[2], (D, D), dtype=jnp.float32) * s
    b1 = jnp.zeros((D,), dtype=jnp.float32)
    W2 = jax.random.normal(ks[3], (D, D), dtype=jnp.float32) * s
    b2 = jnp.zeros((D,), dtype=jnp.float32)
    gate_W = jax.random.normal(ks[4], (D, 1), dtype=jnp.float32) * s
    gate_b = jnp.zeros((1,), dtype=jnp.float32)
    return {"h": h, "edge_index": edge_index, "gamma": gamma, "beta": beta,
            "W1": W1, "b1": b1, "W2": W2, "b2": b2,
            "gate_W": gate_W, "gate_b": gate_b}


def _gcn_conv(x, edge_index, W, b):
    # DGL GraphConv with norm='both': D_dst^{-1/2} A D_src^{-1/2} X W + b
    src = edge_index[0]
    dst = edge_index[1]
    n = x.shape[0]
    ones = jnp.ones((src.shape[0],), dtype=x.dtype)
    deg_out = jnp.zeros((n,), dtype=x.dtype).at[src].add(ones)
    deg_in = jnp.zeros((n,), dtype=x.dtype).at[dst].add(ones)
    norm_src = jnp.power(jnp.clip(deg_out, 1.0), -0.5)
    norm_dst = jnp.power(jnp.clip(deg_in, 1.0), -0.5)
    xw = x @ W
    m = jnp.take(xw, src, axis=0) * norm_src[src][:, None]
    agg = jnp.zeros_like(xw).at[dst].add(m)
    return agg * norm_dst[:, None] + b


def _bn(x, gamma, beta):
    # BatchNorm1d in training mode: batch statistics over node axis
    mu = jnp.mean(x, axis=0)
    var = jnp.var(x, axis=0)
    return (x - mu) / jnp.sqrt(var + 1e-5) * gamma + beta


def reference(h, edge_index, gamma, beta, W1, b1, W2, b2, gate_W, gate_b):
    # dgl.mean_nodes(g, 'h') with a single graph -> mean over all nodes
    init_avg_h = jnp.mean(h, axis=0, keepdims=True)
    pre = h
    hh = _bn(h, gamma, beta)
    hh = pre + jax.nn.relu(_gcn_conv(hh, edge_index, W1, b1))
    pre = hh
    hh = _bn(hh, gamma, beta)
    hh = pre + jax.nn.relu(_gcn_conv(hh, edge_index, W2, b2))
    # GlobalAttentionPooling: softmax(gate_nn(h)) over nodes, weighted sum
    gate = hh @ gate_W + gate_b
    attn = jax.nn.softmax(gate, axis=0)
    hg = jnp.sum(attn * hh, axis=0, keepdims=True)
    return (hg, init_avg_h)

if __name__ == "__main__":
    import jax
    _d = setup_inputs()
    print(jax.jit(kernel)(*tuple(_d.values())))

</pallas_src>

<mosaic_0001>
#map = affine_map<(d0, d1) -> (0, 0, 0, 0)>
module attributes {stable_mosaic.version = 14 : i64} {
  func.func @_deg_body(%arg0: i32, %arg1: i32, %arg2: memref<2x16x79x128xi32, #tpu.memory_space<hbm>>, %arg3: memref<2x16x79x128xi32, #tpu.memory_space<hbm>>, %arg4: memref<2x16x2x10240xf32, #tpu.memory_space<hbm>>, %arg5: memref<79x128xi32, #tpu.memory_space<vmem>>, %arg6: memref<10240xf32, #tpu.memory_space<vmem>>) attributes {dimension_semantics = [#tpu.dimension_semantics<core_parallel>, #tpu.dimension_semantics<subcore_parallel>], iteration_bounds = array<i64: 2, 16>, scalar_prefetch = 0 : i64, scratch_operands = 2 : i64, tpu.core_type = #tpu.core_type<sc_vector_subcore>, window_params = [{transform_indices = #map}, {transform_indices = #map}, {transform_indices = #map}]} {
    %broadcast_in_dim3A = arith.constant 1.000000e+00 : f32
    %broadcast_in_dim3A_0 = vector.broadcast %broadcast_in_dim3A : f32 to vector<16xf32>
    %broadcast_in_dim3A_1 = arith.constant 0.000000e+00 : f32
    %broadcast_in_dim3A_2 = vector.broadcast %broadcast_in_dim3A_1 : f32 to vector<16xf32>
    "tpu.region"() ({
      %run_scoped3A_23 = tpu.sem_alloc : memref<!tpu.dma_semaphore, #tpu.memory_space<semaphore_mem>>
      %dma_start3A = arith.constant 0 : i32
      %dma_start3A_24 = arith.constant 0 : i32
      %dma_start3A_25 = tpu.memref_slice %arg2[%arg0, %arg1, %dma_start3A, %dma_start3A_24] : memref<2x16x79x128xi32, #tpu.memory_space<hbm>> -> memref<1x1x79x128xi32, #tpu.memory_space<hbm>>
      %dma_start3A_26 = tpu.memref_squeeze %dma_start3A_25 : memref<1x1x79x128xi32, #tpu.memory_space<hbm>> -> memref<79x128xi32, #tpu.memory_space<hbm>>
      %dma_start3A_27 = arith.constant 0 : i32
      %dma_start3A_28 = arith.constant 0 : i32
      %dma_start3A_29 = tpu.memref_slice %arg2[%arg0, %arg1, %dma_start3A_27, %dma_start3A_28] : memref<2x16x79x128xi32, #tpu.memory_space<hbm>> -> memref<1x1x79x128xi32, #tpu.memory_space<hbm>>
      %dma_start3A_30 = tpu.memref_squeeze %dma_start3A_29 : memref<1x1x79x128xi32, #tpu.memory_space<hbm>> -> memref<79x128xi32, #tpu.memory_space<hbm>>
      tpu.enqueue_dma source(%dma_start3A_30 : memref<79x128xi32, #tpu.memory_space<hbm>>) target(%arg5 : memref<79x128xi32, #tpu.memory_space<vmem>>) target_semaphore(%run_scoped3A_23 : memref<!tpu.dma_semaphore, #tpu.memory_space<semaphore_mem>>)
      %dma_wait3A = arith.constant 0 : i32
      %dma_wait3A_31 = arith.constant 0 : i32
      %dma_wait3A_32 = tpu.memref_slice %arg2[%arg0, %arg1, %dma_wait3A, %dma_wait3A_31] : memref<2x16x79x128xi32, #tpu.memory_space<hbm>> -> memref<1x1x79x128xi32, #tpu.memory_space<hbm>>
      %dma_wait3A_33 = tpu.memref_squeeze %dma_wait3A_32 : memref<1x1x79x128xi32, #tpu.memory_space<hbm>> -> memref<79x128xi32, #tpu.memory_space<hbm>>
      %dma_wait3A_34 = arith.constant 0 : i32
      %dma_wait3A_35 = arith.constant 0 : i32
      %dma_wait3A_36 = tpu.memref_slice %arg2[%arg0, %arg1, %dma_wait3A_34, %dma_wait3A_35] : memref<2x16x79x128xi32, #tpu.memory_space<hbm>> -> memref<1x1x79x128xi32, #tpu.memory_space<hbm>>
      %dma_wait3A_37 = tpu.memref_squeeze %dma_wait3A_36 : memref<1x1x79x128xi32, #tpu.memory_space<hbm>> -> memref<79x128xi32, #tpu.memory_space<hbm>>
      tpu.wait_dma2 semaphore(%run_scoped3A_23 : memref<!tpu.dma_semaphore, #tpu.memory_space<semaphore_mem>>) src(%dma_wait3A_37 : memref<79x128xi32, #tpu.memory_space<hbm>>) dst(%arg5 : memref<79x128xi32, #tpu.memory_space<vmem>>)
      tpu.yield
    }) : () -> ()
    %scan3A = arith.constant 0 : i32
    %scan3A_3 = arith.constant 80 : i32
    %scan3A_4 = arith.addi %scan3A, %scan3A_3 : i32
    %scan3A_5 = arith.constant 1 : i32
    scf.for %scan3A_23 = %scan3A to %scan3A_4 step %scan3A_5  : i32 {
      %mul3A = arith.constant 8 : i32
      %mul3A_24 = arith.muli %scan3A_23, %mul3A : i32
      %mul3A_25 = arith.constant 16 : i32
      %mul3A_26 = arith.muli %mul3A_24, %mul3A_25 : i32
      %add3A = arith.constant 0 : i32
      %add3A_27 = arith.addi %mul3A_26, %add3A : i32
      %multiple_of3A = tpu.assume_multiple %add3A_27, 16 : i32
      %swap3A = arith.index_cast %multiple_of3A : i32 to index
      %swap3A_28 = tpu.vector_load %arg6[%swap3A] {strides = array<i32>} : memref<10240xf32, #tpu.memory_space<vmem>>, vector<16xf32>,
      tpu.vector_store %arg6[%swap3A], %broadcast_in_dim3A_2 {strides = array<i32>} : memref<10240xf32, #tpu.memory_space<vmem>>, vector<16xf32>,
      %mul3A_29 = arith.constant 8 : i32
      %mul3A_30 = arith.muli %scan3A_23, %mul3A_29 : i32
      %mul3A_31 = arith.constant 16 : i32
      %mul3A_32 = arith.muli %mul3A_30, %mul3A_31 : i32
      %add3A_33 = arith.constant 16 : i32
      %add3A_34 = arith.addi %mul3A_32, %add3A_33 : i32
      %multiple_of3A_35 = tpu.assume_multiple %add3A_34, 16 : i32
      %swap3A_36 = arith.index_cast %multiple_of3A_35 : i32 to index
      %swap3A_37 = tpu.vector_load %arg6[%swap3A_36] {strides = array<i32>} : memref<10240xf32, #tpu.memory_space<vmem>>, vector<16xf32>,
      tpu.vector_store %arg6[%swap3A_36], %broadcast_in_dim3A_2 {strides = array<i32>} : memref<10240xf32, #tpu.memory_space<vmem>>, vector<16xf32>,
      %mul3A_38 = arith.constant 8 : i32
      %mul3A_39 = arith.muli %scan3A_23, %mul3A_38 : i32
      %mul3A_40 = arith.constant 16 : i32
      %mul3A_41 = arith.muli %mul3A_39, %mul3A_40 : i32
      %add3A_42 = arith.constant 32 : i32
      %add3A_43 = arith.addi %mul3A_41, %add3A_42 : i32
      %multiple_of3A_44 = tpu.assume_multiple %add3A_43, 16 : i32
      %swap3A_45 = arith.index_cast %multiple_of3A_44 : i32 to index
      %swap3A_46 = tpu.vector_load %arg6[%swap3A_45] {strides = array<i32>} : memref<10240xf32, #tpu.memory_space<vmem>>, vector<16xf32>,
      tpu.vector_store %arg6[%swap3A_45], %broadcast_in_dim3A_2 {strides = array<i32>} : memref<10240xf32, #tpu.memory_space<vmem>>, vector<16xf32>,
      %mul3A_47 = arith.constant 8 : i32
      %mul3A_48 = arith.muli %scan3A_23, %mul3A_47 : i32
      %mul3A_49 = arith.constant 16 : i32
      %mul3A_50 = arith.muli %mul3A_48, %mul3A_49 : i32
      %add3A_51 = arith.constant 48 : i32
      %add3A_52 = arith.addi %mul3A_50, %add3A_51 : i32
      %multiple_of3A_53 = tpu.assume_multiple %add3A_52, 16 : i32
      %swap3A_54 = arith.index_cast %multiple_of3A_53 : i32 to index
      %swap3A_55 = tpu.vector_load %arg6[%swap3A_54] {strides = array<i32>} : memref<10240xf32, #tpu.memory_space<vmem>>, vector<16xf32>,
      tpu.vector_store %arg6[%swap3A_54], %broadcast_in_dim3A_2 {strides = array<i32>} : memref<10240xf32, #tpu.memory_space<vmem>>, vector<16xf32>,
      %mul3A_56 = arith.constant 8 : i32
      %mul3A_57 = arith.muli %scan3A_23, %mul3A_56 : i32
      %mul3A_58 = arith.constant 16 : i32
      %mul3A_59 = arith.muli %mul3A_57, %mul3A_58 : i32
      %add3A_60 = arith.constant 64 : i32
      %add3A_61 = arith.addi %mul3A_59, %add3A_60 : i32
      %multiple_of3A_62 = tpu.assume_multiple %add3A_61, 16 : i32
      %swap3A_63 = arith.index_cast %multiple_of3A_62 : i32 to index
      %swap3A_64 = tpu.vector_load %arg6[%swap3A_63] {strides = array<i32>} : memref<10240xf32, #tpu.memory_space<vmem>>, vector<16xf32>,
      tpu.vector_store %arg6[%swap3A_63], %broadcast_in_dim3A_2 {strides = array<i32>} : memref<10240xf32, #tpu.memory_space<vmem>>, vector<16xf32>,
      %mul3A_65 = arith.constant 8 : i32
      %mul3A_66 = arith.muli %scan3A_23, %mul3A_65 : i32
      %mul3A_67 = arith.constant 16 : i32
      %mul3A_68 = arith.muli %mul3A_66, %mul3A_67 : i32
      %add3A_69 = arith.constant 80 : i32
      %add3A_70 = arith.addi %mul3A_68, %add3A_69 : i32
      %multiple_of3A_71 = tpu.assume_multiple %add3A_70, 16 : i32
      %swap3A_72 = arith.index_cast %multiple_of3A_71 : i32 to index
      %swap3A_73 = tpu.vector_load %arg6[%swap3A_72] {strides = array<i32>} : memref<10240xf32, #tpu.memory_space<vmem>>, vector<16xf32>,
      tpu.vector_store %arg6[%swap3A_72], %broadcast_in_dim3A_2 {strides = array<i32>} : memref<10240xf32, #tpu.memory_space<vmem>>, vector<16xf32>,
      %mul3A_74 = arith.constant 8 : i32
      %mul3A_75 = arith.muli %scan3A_23, %mul3A_74 : i32
      %mul3A_76 = arith.constant 16 : i32
      %mul3A_77 = arith.muli %mul3A_75, %mul3A_76 : i32
      %add3A_78 = arith.constant 96 : i32
      %add3A_79 = arith.addi %mul3A_77, %add3A_78 : i32
      %multiple_of3A_80 = tpu.assume_multiple %add3A_79, 16 : i32
      %swap3A_81 = arith.index_cast %multiple_of3A_80 : i32 to index
      %swap3A_82 = tpu.vector_load %arg6[%swap3A_81] {strides = array<i32>} : memref<10240xf32, #tpu.memory_space<vmem>>, vector<16xf32>,
      tpu.vector_store %arg6[%swap3A_81], %broadcast_in_dim3A_2 {strides = array<i32>} : memref<10240xf32, #tpu.memory_space<vmem>>, vector<16xf32>,
      %mul3A_83 = arith.constant 8 : i32
      %mul3A_84 = arith.muli %scan3A_23, %mul3A_83 : i32
      %mul3A_85 = arith.constant 16 : i32
      %mul3A_86 = arith.muli %mul3A_84, %mul3A_85 : i32
      %add3A_87 = arith.constant 112 : i32
      %add3A_88 = arith.addi %mul3A_86, %add3A_87 : i32
      %multiple_of3A_89 = tpu.assume_multiple %add3A_88, 16 : i32
      %swap3A_90 = arith.index_cast %multiple_of3A_89 : i32 to index
      %swap3A_91 = tpu.vector_load %arg6[%swap3A_90] {strides = array<i32>} : memref<10240xf32, #tpu.memory_space<vmem>>, vector<16xf32>,
      tpu.vector_store %arg6[%swap3A_90], %broadcast_in_dim3A_2 {strides = array<i32>} : memref<10240xf32, #tpu.memory_space<vmem>>, vector<16xf32>,
    }
    %scan3A_6 = arith.constant 80 : i32
    %scan3A_7 = arith.constant 0 : i32
    %scan3A_8 = arith.constant 79 : i32
    %scan3A_9 = arith.addi %scan3A_7, %scan3A_8 : i32
    %scan3A_10 = arith.constant 1 : i32
    scf.for %scan3A_23 = %scan3A_7 to %scan3A_9 step %scan3A_10  : i32 {
      %get3A = arith.index_cast %scan3A_23 : i32 to index
      %get3A_24 = arith.constant 0 : index
      %get3A_25 = tpu.vector_load %arg5[%get3A, %get3A_24] {strides = array<i32>} : memref<79x128xi32, #tpu.memory_space<vmem>>, vector<16xi32>,
      tpu.vector_store_idx %arg6[%get3A_25], %broadcast_in_dim3A_0 {add = true} : memref<10240xf32, #tpu.memory_space<vmem>>[vector<16xi32>], vector<16xf32>,
      %get3A_26 = arith.index_cast %scan3A_23 : i32 to index
      %get3A_27 = arith.constant 16 : index
      %get3A_28 = tpu.vector_load %arg5[%get3A_26, %get3A_27] {strides = array<i32>} : memref<79x128xi32, #tpu.memory_space<vmem>>, vector<16xi32>,
      tpu.vector_store_idx %arg6[%get3A_28], %broadcast_in_dim3A_0 {add = true} : memref<10240xf32, #tpu.memory_space<vmem>>[vector<16xi32>], vector<16xf32>,
      %get3A_29 = arith.index_cast %scan3A_23 : i32 to index
      %get3A_30 = arith.constant 32 : index
      %get3A_31 = tpu.vector_load %arg5[%get3A_29, %get3A_30] {strides = array<i32>} : memref<79x128xi32, #tpu.memory_space<vmem>>, vector<16xi32>,
      tpu.vector_store_idx %arg6[%get3A_31], %broadcast_in_dim3A_0 {add = true} : memref<10240xf32, #tpu.memory_space<vmem>>[vector<16xi32>], vector<16xf32>,
      %get3A_32 = arith.index_cast %scan3A_23 : i32 to index
      %get3A_33 = arith.constant 48 : index
      %get3A_34 = tpu.vector_load %arg5[%get3A_32, %get3A_33] {strides = array<i32>} : memref<79x128xi32, #tpu.memory_space<vmem>>, vector<16xi32>,
      tpu.vector_store_idx %arg6[%get3A_34], %broadcast_in_dim3A_0 {add = true} : memref<10240xf32, #tpu.memory_space<vmem>>[vector<16xi32>], vector<16xf32>,
      %get3A_35 = arith.index_cast %scan3A_23 : i32 to index
      %get3A_36 = arith.constant 64 : index
      %get3A_37 = tpu.vector_load %arg5[%get3A_35, %get3A_36] {strides = array<i32>} : memref<79x128xi32, #tpu.memory_space<vmem>>, vector<16xi32>,
      tpu.vector_store_idx %arg6[%get3A_37], %broadcast_in_dim3A_0 {add = true} : memref<10240xf32, #tpu.memory_space<vmem>>[vector<16xi32>], vector<16xf32>,
      %get3A_38 = arith.index_cast %scan3A_23 : i32 to index
      %get3A_39 = arith.constant 80 : index
      %get3A_40 = tpu.vector_load %arg5[%get3A_38, %get3A_39] {strides = array<i32>} : memref<79x128xi32, #tpu.memory_space<vmem>>, vector<16xi32>,
      tpu.vector_store_idx %arg6[%get3A_40], %broadcast_in_dim3A_0 {add = true} : memref<10240xf32, #tpu.memory_space<vmem>>[vector<16xi32>], vector<16xf32>,
      %get3A_41 = arith.index_cast %scan3A_23 : i32 to index
      %get3A_42 = arith.constant 96 : index
      %get3A_43 = tpu.vector_load %arg5[%get3A_41, %get3A_42] {strides = array<i32>} : memref<79x128xi32, #tpu.memory_space<vmem>>, vector<16xi32>,
      tpu.vector_store_idx %arg6[%get3A_43], %broadcast_in_dim3A_0 {add = true} : memref<10240xf32, #tpu.memory_space<vmem>>[vector<16xi32>], vector<16xf32>,
      %get3A_44 = arith.index_cast %scan3A_23 : i32 to index
      %get3A_45 = arith.constant 112 : index
      %get3A_46 = tpu.vector_load %arg5[%get3A_44, %get3A_45] {strides = array<i32>} : memref<79x128xi32, #tpu.memory_space<vmem>>, vector<16xi32>,
      tpu.vector_store_idx %arg6[%get3A_46], %broadcast_in_dim3A_0 {add = true} : memref<10240xf32, #tpu.memory_space<vmem>>[vector<16xi32>], vector<16xf32>,
    }
    %scan3A_11 = arith.constant 79 : i32
    %run_scoped3A = arith.constant 0 : i32
    "tpu.region"() ({
      %run_scoped3A_23 = tpu.sem_alloc : memref<!tpu.dma_semaphore, #tpu.memory_space<semaphore_mem>>
      %dma_start3A = arith.constant 0 : i32
      %dma_start3A_24 = tpu.memref_slice %arg4[%arg0, %arg1, %run_scoped3A, %dma_start3A] : memref<2x16x2x10240xf32, #tpu.memory_space<hbm>> -> memref<1x1x1x10240xf32, #tpu.memory_space<hbm>>
      %dma_start3A_25 = tpu.memref_squeeze %dma_start3A_24 : memref<1x1x1x10240xf32, #tpu.memory_space<hbm>> -> memref<10240xf32, #tpu.memory_space<hbm>>
      %dma_start3A_26 = arith.constant 0 : i32
      %dma_start3A_27 = tpu.memref_slice %arg4[%arg0, %arg1, %run_scoped3A, %dma_start3A_26] : memref<2x16x2x10240xf32, #tpu.memory_space<hbm>> -> memref<1x1x1x10240xf32, #tpu.memory_space<hbm>>
      %dma_start3A_28 = tpu.memref_squeeze %dma_start3A_27 : memref<1x1x1x10240xf32, #tpu.memory_space<hbm>> -> memref<10240xf32, #tpu.memory_space<hbm>>
      tpu.enqueue_dma source(%arg6 : memref<10240xf32, #tpu.memory_space<vmem>>) target(%dma_start3A_28 : memref<10240xf32, #tpu.memory_space<hbm>>) target_semaphore(%run_scoped3A_23 : memref<!tpu.dma_semaphore, #tpu.memory_space<semaphore_mem>>)
      %dma_wait3A = arith.constant 0 : i32
      %dma_wait3A_29 = tpu.memref_slice %arg4[%arg0, %arg1, %run_scoped3A, %dma_wait3A] : memref<2x16x2x10240xf32, #tpu.memory_space<hbm>> -> memref<1x1x1x10240xf32, #tpu.memory_space<hbm>>
      %dma_wait3A_30 = tpu.memref_squeeze %dma_wait3A_29 : memref<1x1x1x10240xf32, #tpu.memory_space<hbm>> -> memref<10240xf32, #tpu.memory_space<hbm>>
      %dma_wait3A_31 = arith.constant 0 : i32
      %dma_wait3A_32 = tpu.memref_slice %arg4[%arg0, %arg1, %run_scoped3A, %dma_wait3A_31] : memref<2x16x2x10240xf32, #tpu.memory_space<hbm>> -> memref<1x1x1x10240xf32, #tpu.memory_space<hbm>>
      %dma_wait3A_33 = tpu.memref_squeeze %dma_wait3A_32 : memref<1x1x1x10240xf32, #tpu.memory_space<hbm>> -> memref<10240xf32, #tpu.memory_space<hbm>>
      tpu.wait_dma2 semaphore(%run_scoped3A_23 : memref<!tpu.dma_semaphore, #tpu.memory_space<semaphore_mem>>) src(%arg6 : memref<10240xf32, #tpu.memory_space<vmem>>) dst(%dma_wait3A_33 : memref<10240xf32, #tpu.memory_space<hbm>>)
      tpu.yield
    }) : () -> ()
    "tpu.region"() ({
      %run_scoped3A_23 = tpu.sem_alloc : memref<!tpu.dma_semaphore, #tpu.memory_space<semaphore_mem>>
      %dma_start3A = arith.constant 0 : i32
      %dma_start3A_24 = arith.constant 0 : i32
      %dma_start3A_25 = tpu.memref_slice %arg3[%arg0, %arg1, %dma_start3A, %dma_start3A_24] : memref<2x16x79x128xi32, #tpu.memory_space<hbm>> -> memref<1x1x79x128xi32, #tpu.memory_space<hbm>>
      %dma_start3A_26 = tpu.memref_squeeze %dma_start3A_25 : memref<1x1x79x128xi32, #tpu.memory_space<hbm>> -> memref<79x128xi32, #tpu.memory_space<hbm>>
      %dma_start3A_27 = arith.constant 0 : i32
      %dma_start3A_28 = arith.constant 0 : i32
      %dma_start3A_29 = tpu.memref_slice %arg3[%arg0, %arg1, %dma_start3A_27, %dma_start3A_28] : memref<2x16x79x128xi32, #tpu.memory_space<hbm>> -> memref<1x1x79x128xi32, #tpu.memory_space<hbm>>
      %dma_start3A_30 = tpu.memref_squeeze %dma_start3A_29 : memref<1x1x79x128xi32, #tpu.memory_space<hbm>> -> memref<79x128xi32, #tpu.memory_space<hbm>>
      tpu.enqueue_dma source(%dma_start3A_30 : memref<79x128xi32, #tpu.memory_space<hbm>>) target(%arg5 : memref<79x128xi32, #tpu.memory_space<vmem>>) target_semaphore(%run_scoped3A_23 : memref<!tpu.dma_semaphore, #tpu.memory_space<semaphore_mem>>)
      %dma_wait3A = arith.constant 0 : i32
      %dma_wait3A_31 = arith.constant 0 : i32
      %dma_wait3A_32 = tpu.memref_slice %arg3[%arg0, %arg1, %dma_wait3A, %dma_wait3A_31] : memref<2x16x79x128xi32, #tpu.memory_space<hbm>> -> memref<1x1x79x128xi32, #tpu.memory_space<hbm>>
      %dma_wait3A_33 = tpu.memref_squeeze %dma_wait3A_32 : memref<1x1x79x128xi32, #tpu.memory_space<hbm>> -> memref<79x128xi32, #tpu.memory_space<hbm>>
      %dma_wait3A_34 = arith.constant 0 : i32
      %dma_wait3A_35 = arith.constant 0 : i32
      %dma_wait3A_36 = tpu.memref_slice %arg3[%arg0, %arg1, %dma_wait3A_34, %dma_wait3A_35] : memref<2x16x79x128xi32, #tpu.memory_space<hbm>> -> memref<1x1x79x128xi32, #tpu.memory_space<hbm>>
      %dma_wait3A_37 = tpu.memref_squeeze %dma_wait3A_36 : memref<1x1x79x128xi32, #tpu.memory_space<hbm>> -> memref<79x128xi32, #tpu.memory_space<hbm>>
      tpu.wait_dma2 semaphore(%run_scoped3A_23 : memref<!tpu.dma_semaphore, #tpu.memory_space<semaphore_mem>>) src(%dma_wait3A_37 : memref<79x128xi32, #tpu.memory_space<hbm>>) dst(%arg5 : memref<79x128xi32, #tpu.memory_space<vmem>>)
      tpu.yield
    }) : () -> ()
    %scan3A_12 = arith.constant 0 : i32
    %scan3A_13 = arith.constant 80 : i32
    %scan3A_14 = arith.addi %scan3A_12, %scan3A_13 : i32
    %scan3A_15 = arith.constant 1 : i32
    scf.for %scan3A_23 = %scan3A_12 to %scan3A_14 step %scan3A_15  : i32 {
      %mul3A = arith.constant 8 : i32
      %mul3A_24 = arith.muli %scan3A_23, %mul3A : i32
      %mul3A_25 = arith.constant 16 : i32
      %mul3A_26 = arith.muli %mul3A_24, %mul3A_25 : i32
      %add3A = arith.constant 0 : i32
      %add3A_27 = arith.addi %mul3A_26, %add3A : i32
      %multiple_of3A = tpu.assume_multiple %add3A_27, 16 : i32
      %swap3A = arith.index_cast %multiple_of3A : i32 to index
      %swap3A_28 = tpu.vector_load %arg6[%swap3A] {strides = array<i32>} : memref<10240xf32, #tpu.memory_space<vmem>>, vector<16xf32>,
      tpu.vector_store %arg6[%swap3A], %broadcast_in_dim3A_2 {strides = array<i32>} : memref<10240xf32, #tpu.memory_space<vmem>>, vector<16xf32>,
      %mul3A_29 = arith.constant 8 : i32
      %mul3A_30 = arith.muli %scan3A_23, %mul3A_29 : i32
      %mul3A_31 = arith.constant 16 : i32
      %mul3A_32 = arith.muli %mul3A_30, %mul3A_31 : i32
      %add3A_33 = arith.constant 16 : i32
      %add3A_34 = arith.addi %mul3A_32, %add3A_33 : i32
      %multiple_of3A_35 = tpu.assume_multiple %add3A_34, 16 : i32
      %swap3A_36 = arith.index_cast %multiple_of3A_35 : i32 to index
      %swap3A_37 = tpu.vector_load %arg6[%swap3A_36] {strides = array<i32>} : memref<10240xf32, #tpu.memory_space<vmem>>, vector<16xf32>,
      tpu.vector_store %arg6[%swap3A_36], %broadcast_in_dim3A_2 {strides = array<i32>} : memref<10240xf32, #tpu.memory_space<vmem>>, vector<16xf32>,
      %mul3A_38 = arith.constant 8 : i32
      %mul3A_39 = arith.muli %scan3A_23, %mul3A_38 : i32
      %mul3A_40 = arith.constant 16 : i32
      %mul3A_41 = arith.muli %mul3A_39, %mul3A_40 : i32
      %add3A_42 = arith.constant 32 : i32
      %add3A_43 = arith.addi %mul3A_41, %add3A_42 : i32
      %multiple_of3A_44 = tpu.assume_multiple %add3A_43, 16 : i32
      %swap3A_45 = arith.index_cast %multiple_of3A_44 : i32 to index
      %swap3A_46 = tpu.vector_load %arg6[%swap3A_45] {strides = array<i32>} : memref<10240xf32, #tpu.memory_space<vmem>>, vector<16xf32>,
      tpu.vector_store %arg6[%swap3A_45], %broadcast_in_dim3A_2 {strides = array<i32>} : memref<10240xf32, #tpu.memory_space<vmem>>, vector<16xf32>,
      %mul3A_47 = arith.constant 8 : i32
      %mul3A_48 = arith.muli %scan3A_23, %mul3A_47 : i32
      %mul3A_49 = arith.constant 16 : i32
      %mul3A_50 = arith.muli %mul3A_48, %mul3A_49 : i32
      %add3A_51 = arith.constant 48 : i32
      %add3A_52 = arith.addi %mul3A_50, %add3A_51 : i32
      %multiple_of3A_53 = tpu.assume_multiple %add3A_52, 16 : i32
      %swap3A_54 = arith.index_cast %multiple_of3A_53 : i32 to index
      %swap3A_55 = tpu.vector_load %arg6[%swap3A_54] {strides = array<i32>} : memref<10240xf32, #tpu.memory_space<vmem>>, vector<16xf32>,
      tpu.vector_store %arg6[%swap3A_54], %broadcast_in_dim3A_2 {strides = array<i32>} : memref<10240xf32, #tpu.memory_space<vmem>>, vector<16xf32>,
      %mul3A_56 = arith.constant 8 : i32
      %mul3A_57 = arith.muli %scan3A_23, %mul3A_56 : i32
      %mul3A_58 = arith.constant 16 : i32
      %mul3A_59 = arith.muli %mul3A_57, %mul3A_58 : i32
      %add3A_60 = arith.constant 64 : i32
      %add3A_61 = arith.addi %mul3A_59, %add3A_60 : i32
      %multiple_of3A_62 = tpu.assume_multiple %add3A_61, 16 : i32
      %swap3A_63 = arith.index_cast %multiple_of3A_62 : i32 to index
      %swap3A_64 = tpu.vector_load %arg6[%swap3A_63] {strides = array<i32>} : memref<10240xf32, #tpu.memory_space<vmem>>, vector<16xf32>,
      tpu.vector_store %arg6[%swap3A_63], %broadcast_in_dim3A_2 {strides = array<i32>} : memref<10240xf32, #tpu.memory_space<vmem>>, vector<16xf32>,
      %mul3A_65 = arith.constant 8 : i32
      %mul3A_66 = arith.muli %scan3A_23, %mul3A_65 : i32
      %mul3A_67 = arith.constant 16 : i32
      %mul3A_68 = arith.muli %mul3A_66, %mul3A_67 : i32
      %add3A_69 = arith.constant 80 : i32
      %add3A_70 = arith.addi %mul3A_68, %add3A_69 : i32
      %multiple_of3A_71 = tpu.assume_multiple %add3A_70, 16 : i32
      %swap3A_72 = arith.index_cast %multiple_of3A_71 : i32 to index
      %swap3A_73 = tpu.vector_load %arg6[%swap3A_72] {strides = array<i32>} : memref<10240xf32, #tpu.memory_space<vmem>>, vector<16xf32>,
      tpu.vector_store %arg6[%swap3A_72], %broadcast_in_dim3A_2 {strides = array<i32>} : memref<10240xf32, #tpu.memory_space<vmem>>, vector<16xf32>,
      %mul3A_74 = arith.constant 8 : i32
      %mul3A_75 = arith.muli %scan3A_23, %mul3A_74 : i32
      %mul3A_76 = arith.constant 16 : i32
      %mul3A_77 = arith.muli %mul3A_75, %mul3A_76 : i32
      %add3A_78 = arith.constant 96 : i32
      %add3A_79 = arith.addi %mul3A_77, %add3A_78 : i32
      %multiple_of3A_80 = tpu.assume_multiple %add3A_79, 16 : i32
      %swap3A_81 = arith.index_cast %multiple_of3A_80 : i32 to index
      %swap3A_82 = tpu.vector_load %arg6[%swap3A_81] {strides = array<i32>} : memref<10240xf32, #tpu.memory_space<vmem>>, vector<16xf32>,
      tpu.vector_store %arg6[%swap3A_81], %broadcast_in_dim3A_2 {strides = array<i32>} : memref<10240xf32, #tpu.memory_space<vmem>>, vector<16xf32>,
      %mul3A_83 = arith.constant 8 : i32
      %mul3A_84 = arith.muli %scan3A_23, %mul3A_83 : i32
      %mul3A_85 = arith.constant 16 : i32
      %mul3A_86 = arith.muli %mul3A_84, %mul3A_85 : i32
      %add3A_87 = arith.constant 112 : i32
      %add3A_88 = arith.addi %mul3A_86, %add3A_87 : i32
      %multiple_of3A_89 = tpu.assume_multiple %add3A_88, 16 : i32
      %swap3A_90 = arith.index_cast %multiple_of3A_89 : i32 to index
      %swap3A_91 = tpu.vector_load %arg6[%swap3A_90] {strides = array<i32>} : memref<10240xf32, #tpu.memory_space<vmem>>, vector<16xf32>,
      tpu.vector_store %arg6[%swap3A_90], %broadcast_in_dim3A_2 {strides = array<i32>} : memref<10240xf32, #tpu.memory_space<vmem>>, vector<16xf32>,
    }
    %scan3A_16 = arith.constant 80 : i32
    %scan3A_17 = arith.constant 0 : i32
    %scan3A_18 = arith.constant 79 : i32
    %scan3A_19 = arith.addi %scan3A_17, %scan3A_18 : i32
    %scan3A_20 = arith.constant 1 : i32
    scf.for %scan3A_23 = %scan3A_17 to %scan3A_19 step %scan3A_20  : i32 {
      %get3A = arith.index_cast %scan3A_23 : i32 to index
      %get3A_24 = arith.constant 0 : index
      %get3A_25 = tpu.vector_load %arg5[%get3A, %get3A_24] {strides = array<i32>} : memref<79x128xi32, #tpu.memory_space<vmem>>, vector<16xi32>,
      tpu.vector_store_idx %arg6[%get3A_25], %broadcast_in_dim3A_0 {add = true} : memref<10240xf32, #tpu.memory_space<vmem>>[vector<16xi32>], vector<16xf32>,
      %get3A_26 = arith.index_cast %scan3A_23 : i32 to index
      %get3A_27 = arith.constant 16 : index
      %get3A_28 = tpu.vector_load %arg5[%get3A_26, %get3A_27] {strides = array<i32>} : memref<79x128xi32, #tpu.memory_space<vmem>>, vector<16xi32>,
      tpu.vector_store_idx %arg6[%get3A_28], %broadcast_in_dim3A_0 {add = true} : memref<10240xf32, #tpu.memory_space<vmem>>[vector<16xi32>], vector<16xf32>,
      %get3A_29 = arith.index_cast %scan3A_23 : i32 to index
      %get3A_30 = arith.constant 32 : index
      %get3A_31 = tpu.vector_load %arg5[%get3A_29, %get3A_30] {strides = array<i32>} : memref<79x128xi32, #tpu.memory_space<vmem>>, vector<16xi32>,
      tpu.vector_store_idx %arg6[%get3A_31], %broadcast_in_dim3A_0 {add = true} : memref<10240xf32, #tpu.memory_space<vmem>>[vector<16xi32>], vector<16xf32>,
      %get3A_32 = arith.index_cast %scan3A_23 : i32 to index
      %get3A_33 = arith.constant 48 : index
      %get3A_34 = tpu.vector_load %arg5[%get3A_32, %get3A_33] {strides = array<i32>} : memref<79x128xi32, #tpu.memory_space<vmem>>, vector<16xi32>,
      tpu.vector_store_idx %arg6[%get3A_34], %broadcast_in_dim3A_0 {add = true} : memref<10240xf32, #tpu.memory_space<vmem>>[vector<16xi32>], vector<16xf32>,
      %get3A_35 = arith.index_cast %scan3A_23 : i32 to index
      %get3A_36 = arith.constant 64 : index
      %get3A_37 = tpu.vector_load %arg5[%get3A_35, %get3A_36] {strides = array<i32>} : memref<79x128xi32, #tpu.memory_space<vmem>>, vector<16xi32>,
      tpu.vector_store_idx %arg6[%get3A_37], %broadcast_in_dim3A_0 {add = true} : memref<10240xf32, #tpu.memory_space<vmem>>[vector<16xi32>], vector<16xf32>,
      %get3A_38 = arith.index_cast %scan3A_23 : i32 to index
      %get3A_39 = arith.constant 80 : index
      %get3A_40 = tpu.vector_load %arg5[%get3A_38, %get3A_39] {strides = array<i32>} : memref<79x128xi32, #tpu.memory_space<vmem>>, vector<16xi32>,
      tpu.vector_store_idx %arg6[%get3A_40], %broadcast_in_dim3A_0 {add = true} : memref<10240xf32, #tpu.memory_space<vmem>>[vector<16xi32>], vector<16xf32>,
      %get3A_41 = arith.index_cast %scan3A_23 : i32 to index
      %get3A_42 = arith.constant 96 : index
      %get3A_43 = tpu.vector_load %arg5[%get3A_41, %get3A_42] {strides = array<i32>} : memref<79x128xi32, #tpu.memory_space<vmem>>, vector<16xi32>,
      tpu.vector_store_idx %arg6[%get3A_43], %broadcast_in_dim3A_0 {add = true} : memref<10240xf32, #tpu.memory_space<vmem>>[vector<16xi32>], vector<16xf32>,
      %get3A_44 = arith.index_cast %scan3A_23 : i32 to index
      %get3A_45 = arith.constant 112 : index
      %get3A_46 = tpu.vector_load %arg5[%get3A_44, %get3A_45] {strides = array<i32>} : memref<79x128xi32, #tpu.memory_space<vmem>>, vector<16xi32>,
      tpu.vector_store_idx %arg6[%get3A_46], %broadcast_in_dim3A_0 {add = true} : memref<10240xf32, #tpu.memory_space<vmem>>[vector<16xi32>], vector<16xf32>,
    }
    %scan3A_21 = arith.constant 79 : i32
    %run_scoped3A_22 = arith.constant 1 : i32
    "tpu.region"() ({
      %run_scoped3A_23 = tpu.sem_alloc : memref<!tpu.dma_semaphore, #tpu.memory_space<semaphore_mem>>
      %dma_start3A = arith.constant 0 : i32
      %dma_start3A_24 = tpu.memref_slice %arg4[%arg0, %arg1, %run_scoped3A_22, %dma_start3A] : memref<2x16x2x10240xf32, #tpu.memory_space<hbm>> -> memref<1x1x1x10240xf32, #tpu.memory_space<hbm>>
      %dma_start3A_25 = tpu.memref_squeeze %dma_start3A_24 : memref<1x1x1x10240xf32, #tpu.memory_space<hbm>> -> memref<10240xf32, #tpu.memory_space<hbm>>
      %dma_start3A_26 = arith.constant 0 : i32
      %dma_start3A_27 = tpu.memref_slice %arg4[%arg0, %arg1, %run_scoped3A_22, %dma_start3A_26] : memref<2x16x2x10240xf32, #tpu.memory_space<hbm>> -> memref<1x1x1x10240xf32, #tpu.memory_space<hbm>>
      %dma_start3A_28 = tpu.memref_squeeze %dma_start3A_27 : memref<1x1x1x10240xf32, #tpu.memory_space<hbm>> -> memref<10240xf32, #tpu.memory_space<hbm>>
      tpu.enqueue_dma source(%arg6 : memref<10240xf32, #tpu.memory_space<vmem>>) target(%dma_start3A_28 : memref<10240xf32, #tpu.memory_space<hbm>>) target_semaphore(%run_scoped3A_23 : memref<!tpu.dma_semaphore, #tpu.memory_space<semaphore_mem>>)
      %dma_wait3A = arith.constant 0 : i32
      %dma_wait3A_29 = tpu.memref_slice %arg4[%arg0, %arg1, %run_scoped3A_22, %dma_wait3A] : memref<2x16x2x10240xf32, #tpu.memory_space<hbm>> -> memref<1x1x1x10240xf32, #tpu.memory_space<hbm>>
      %dma_wait3A_30 = tpu.memref_squeeze %dma_wait3A_29 : memref<1x1x1x10240xf32, #tpu.memory_space<hbm>> -> memref<10240xf32, #tpu.memory_space<hbm>>
      %dma_wait3A_31 = arith.constant 0 : i32
      %dma_wait3A_32 = tpu.memref_slice %arg4[%arg0, %arg1, %run_scoped3A_22, %dma_wait3A_31] : memref<2x16x2x10240xf32, #tpu.memory_space<hbm>> -> memref<1x1x1x10240xf32, #tpu.memory_space<hbm>>
      %dma_wait3A_33 = tpu.memref_squeeze %dma_wait3A_32 : memref<1x1x1x10240xf32, #tpu.memory_space<hbm>> -> memref<10240xf32, #tpu.memory_space<hbm>>
      tpu.wait_dma2 semaphore(%run_scoped3A_23 : memref<!tpu.dma_semaphore, #tpu.memory_space<semaphore_mem>>) src(%arg6 : memref<10240xf32, #tpu.memory_space<vmem>>) dst(%dma_wait3A_33 : memref<10240xf32, #tpu.memory_space<hbm>>)
      tpu.yield
    }) : () -> ()
    return
  }
}

#map = affine_map<(d0, d1) -> (0, 0)>
#map1 = affine_map<(d0, d1) -> (0, 0, 0, 0)>
#map2 = affine_map<(d0, d1) -> (0, 0, 0)>
module attributes {stable_mosaic.version = 14 : i64} {
  func.func @_edge_body(%arg0: i32, %arg1: i32, %arg2: memref<10240x128xf32, #tpu.memory_space<hbm>>, %arg3: memref<2x16x81x128xi32, #tpu.memory_space<hbm>>, %arg4: memref<2x16x81x128xi32, #tpu.memory_space<hbm>>, %arg5: memref<2x10240x128xf32, #tpu.memory_space<hbm>>, %arg6: memref<81x128xi32, #tpu.memory_space<vmem>>, %arg7: memref<81x128xi32, #tpu.memory_space<vmem>>, %arg8: memref<128x128xf32, #tpu.memory_space<vmem>>, %arg9: memref<10240x128xf32, #tpu.memory_space<vmem_shared>>) attributes {dimension_semantics = [#tpu.dimension_semantics<core_parallel>, #tpu.dimension_semantics<subcore_parallel>], iteration_bounds = array<i64: 2, 16>, scalar_prefetch = 0 : i64, scratch_operands = 4 : i64, tpu.core_type = #tpu.core_type<sc_vector_subcore>, window_params = [{transform_indices = #map}, {transform_indices = #map1}, {transform_indices = #map1}, {transform_indices = #map2}]} {
    "tpu.region"() ({
      %run_scoped3A = tpu.sem_alloc : memref<!tpu.dma_semaphore, #tpu.memory_space<semaphore_mem>>
      %dma_start3A = arith.constant 0 : i32
      %dma_start3A_36 = arith.constant 0 : i32
      %dma_start3A_37 = tpu.memref_slice %arg3[%arg0, %arg1, %dma_start3A, %dma_start3A_36] : memref<2x16x81x128xi32, #tpu.memory_space<hbm>> -> memref<1x1x81x128xi32, #tpu.memory_space<hbm>>
      %dma_start3A_38 = tpu.memref_squeeze %dma_start3A_37 : memref<1x1x81x128xi32, #tpu.memory_space<hbm>> -> memref<81x128xi32, #tpu.memory_space<hbm>>
      %dma_start3A_39 = arith.constant 0 : i32
      %dma_start3A_40 = arith.constant 0 : i32
      %dma_start3A_41 = tpu.memref_slice %arg3[%arg0, %arg1, %dma_start3A_39, %dma_start3A_40] : memref<2x16x81x128xi32, #tpu.memory_space<hbm>> -> memref<1x1x81x128xi32, #tpu.memory_space<hbm>>
      %dma_start3A_42 = tpu.memref_squeeze %dma_start3A_41 : memref<1x1x81x128xi32, #tpu.memory_space<hbm>> -> memref<81x128xi32, #tpu.memory_space<hbm>>
      tpu.enqueue_dma source(%dma_start3A_42 : memref<81x128xi32, #tpu.memory_space<hbm>>) target(%arg6 : memref<81x128xi32, #tpu.memory_space<vmem>>) target_semaphore(%run_scoped3A : memref<!tpu.dma_semaphore, #tpu.memory_space<semaphore_mem>>)
      %dma_wait3A = arith.constant 0 : i32
      %dma_wait3A_43 = arith.constant 0 : i32
      %dma_wait3A_44 = tpu.memref_slice %arg3[%arg0, %arg1, %dma_wait3A, %dma_wait3A_43] : memref<2x16x81x128xi32, #tpu.memory_space<hbm>> -> memref<1x1x81x128xi32, #tpu.memory_space<hbm>>
      %dma_wait3A_45 = tpu.memref_squeeze %dma_wait3A_44 : memref<1x1x81x128xi32, #tpu.memory_space<hbm>> -> memref<81x128xi32, #tpu.memory_space<hbm>>
      %dma_wait3A_46 = arith.constant 0 : i32
      %dma_wait3A_47 = arith.constant 0 : i32
      %dma_wait3A_48 = tpu.memref_slice %arg3[%arg0, %arg1, %dma_wait3A_46, %dma_wait3A_47] : memref<2x16x81x128xi32, #tpu.memory_space<hbm>> -> memref<1x1x81x128xi32, #tpu.memory_space<hbm>>
      %dma_wait3A_49 = tpu.memref_squeeze %dma_wait3A_48 : memref<1x1x81x128xi32, #tpu.memory_space<hbm>> -> memref<81x128xi32, #tpu.memory_space<hbm>>
      tpu.wait_dma2 semaphore(%run_scoped3A : memref<!tpu.dma_semaphore, #tpu.memory_space<semaphore_mem>>) src(%dma_wait3A_49 : memref<81x128xi32, #tpu.memory_space<hbm>>) dst(%arg6 : memref<81x128xi32, #tpu.memory_space<vmem>>)
      tpu.yield
    }) : () -> ()
    "tpu.region"() ({
      %run_scoped3A = tpu.sem_alloc : memref<!tpu.dma_semaphore, #tpu.memory_space<semaphore_mem>>
      %dma_start3A = arith.constant 0 : i32
      %dma_start3A_36 = arith.constant 0 : i32
      %dma_start3A_37 = tpu.memref_slice %arg4[%arg0, %arg1, %dma_start3A, %dma_start3A_36] : memref<2x16x81x128xi32, #tpu.memory_space<hbm>> -> memref<1x1x81x128xi32, #tpu.memory_space<hbm>>
      %dma_start3A_38 = tpu.memref_squeeze %dma_start3A_37 : memref<1x1x81x128xi32, #tpu.memory_space<hbm>> -> memref<81x128xi32, #tpu.memory_space<hbm>>
      %dma_start3A_39 = arith.constant 0 : i32
      %dma_start3A_40 = arith.constant 0 : i32
      %dma_start3A_41 = tpu.memref_slice %arg4[%arg0, %arg1, %dma_start3A_39, %dma_start3A_40] : memref<2x16x81x128xi32, #tpu.memory_space<hbm>> -> memref<1x1x81x128xi32, #tpu.memory_space<hbm>>
      %dma_start3A_42 = tpu.memref_squeeze %dma_start3A_41 : memref<1x1x81x128xi32, #tpu.memory_space<hbm>> -> memref<81x128xi32, #tpu.memory_space<hbm>>
      tpu.enqueue_dma source(%dma_start3A_42 : memref<81x128xi32, #tpu.memory_space<hbm>>) target(%arg7 : memref<81x128xi32, #tpu.memory_space<vmem>>) target_semaphore(%run_scoped3A : memref<!tpu.dma_semaphore, #tpu.memory_space<semaphore_mem>>)
      %dma_wait3A = arith.constant 0 : i32
      %dma_wait3A_43 = arith.constant 0 : i32
      %dma_wait3A_44 = tpu.memref_slice %arg4[%arg0, %arg1, %dma_wait3A, %dma_wait3A_43] : memref<2x16x81x128xi32, #tpu.memory_space<hbm>> -> memref<1x1x81x128xi32, #tpu.memory_space<hbm>>
      %dma_wait3A_45 = tpu.memref_squeeze %dma_wait3A_44 : memref<1x1x81x128xi32, #tpu.memory_space<hbm>> -> memref<81x128xi32, #tpu.memory_space<hbm>>
      %dma_wait3A_46 = arith.constant 0 : i32
      %dma_wait3A_47 = arith.constant 0 : i32
      %dma_wait3A_48 = tpu.memref_slice %arg4[%arg0, %arg1, %dma_wait3A_46, %dma_wait3A_47] : memref<2x16x81x128xi32, #tpu.memory_space<hbm>> -> memref<1x1x81x128xi32, #tpu.memory_space<hbm>>
      %dma_wait3A_49 = tpu.memref_squeeze %dma_wait3A_48 : memref<1x1x81x128xi32, #tpu.memory_space<hbm>> -> memref<81x128xi32, #tpu.memory_space<hbm>>
      tpu.wait_dma2 semaphore(%run_scoped3A : memref<!tpu.dma_semaphore, #tpu.memory_space<semaphore_mem>>) src(%dma_wait3A_49 : memref<81x128xi32, #tpu.memory_space<hbm>>) dst(%arg7 : memref<81x128xi32, #tpu.memory_space<vmem>>)
      tpu.yield
    }) : () -> ()
    %broadcast_in_dim3A = arith.constant 0.000000e+00 : f32
    %broadcast_in_dim3A_0 = vector.broadcast %broadcast_in_dim3A : f32 to vector<16xf32>
    %scan3A = arith.constant 0 : i32
    %scan3A_1 = arith.constant 128 : i32
    %scan3A_2 = arith.addi %scan3A, %scan3A_1 : i32
    %scan3A_3 = arith.constant 1 : i32
    scf.for %scan3A_36 = %scan3A to %scan3A_2 step %scan3A_3  : i32 {
      %swap3A = arith.index_cast %scan3A_36 : i32 to index
      %swap3A_37 = arith.constant 0 : index
      %swap3A_38 = tpu.vector_load %arg8[%swap3A, %swap3A_37] {strides = array<i32>} : memref<128x128xf32, #tpu.memory_space<vmem>>, vector<16xf32>,
      tpu.vector_store %arg8[%swap3A, %swap3A_37], %broadcast_in_dim3A_0 {strides = array<i32>} : memref<128x128xf32, #tpu.memory_space<vmem>>, vector<16xf32>,
      %swap3A_39 = arith.index_cast %scan3A_36 : i32 to index
      %swap3A_40 = arith.constant 16 : index
      %swap3A_41 = tpu.vector_load %arg8[%swap3A_39, %swap3A_40] {strides = array<i32>} : memref<128x128xf32, #tpu.memory_space<vmem>>, vector<16xf32>,
      tpu.vector_store %arg8[%swap3A_39, %swap3A_40], %broadcast_in_dim3A_0 {strides = array<i32>} : memref<128x128xf32, #tpu.memory_space<vmem>>, vector<16xf32>,
      %swap3A_42 = arith.index_cast %scan3A_36 : i32 to index
      %swap3A_43 = arith.constant 32 : index
      %swap3A_44 = tpu.vector_load %arg8[%swap3A_42, %swap3A_43] {strides = array<i32>} : memref<128x128xf32, #tpu.memory_space<vmem>>, vector<16xf32>,
      tpu.vector_store %arg8[%swap3A_42, %swap3A_43], %broadcast_in_dim3A_0 {strides = array<i32>} : memref<128x128xf32, #tpu.memory_space<vmem>>, vector<16xf32>,
      %swap3A_45 = arith.index_cast %scan3A_36 : i32 to index
      %swap3A_46 = arith.constant 48 : index
      %swap3A_47 = tpu.vector_load %arg8[%swap3A_45, %swap3A_46] {strides = array<i32>} : memref<128x128xf32, #tpu.memory_space<vmem>>, vector<16xf32>,
      tpu.vector_store %arg8[%swap3A_45, %swap3A_46], %broadcast_in_dim3A_0 {strides = array<i32>} : memref<128x128xf32, #tpu.memory_space<vmem>>, vector<16xf32>,
      %swap3A_48 = arith.index_cast %scan3A_36 : i32 to index
      %swap3A_49 = arith.constant 64 : index
      %swap3A_50 = tpu.vector_load %arg8[%swap3A_48, %swap3A_49] {strides = array<i32>} : memref<128x128xf32, #tpu.memory_space<vmem>>, vector<16xf32>,
      tpu.vector_store %arg8[%swap3A_48, %swap3A_49], %broadcast_in_dim3A_0 {strides = array<i32>} : memref<128x128xf32, #tpu.memory_space<vmem>>, vector<16xf32>,
      %swap3A_51 = arith.index_cast %scan3A_36 : i32 to index
      %swap3A_52 = arith.constant 80 : index
      %swap3A_53 = tpu.vector_load %arg8[%swap3A_51, %swap3A_52] {strides = array<i32>} : memref<128x128xf32, #tpu.memory_space<vmem>>, vector<16xf32>,
      tpu.vector_store %arg8[%swap3A_51, %swap3A_52], %broadcast_in_dim3A_0 {strides = array<i32>} : memref<128x128xf32, #tpu.memory_space<vmem>>, vector<16xf32>,
      %swap3A_54 = arith.index_cast %scan3A_36 : i32 to index
      %swap3A_55 = arith.constant 96 : index
      %swap3A_56 = tpu.vector_load %arg8[%swap3A_54, %swap3A_55] {strides = array<i32>} : memref<128x128xf32, #tpu.memory_space<vmem>>, vector<16xf32>,
      tpu.vector_store %arg8[%swap3A_54, %swap3A_55], %broadcast_in_dim3A_0 {strides = array<i32>} : memref<128x128xf32, #tpu.memory_space<vmem>>, vector<16xf32>,
      %swap3A_57 = arith.index_cast %scan3A_36 : i32 to index
      %swap3A_58 = arith.constant 112 : index
      %swap3A_59 = tpu.vector_load %arg8[%swap3A_57, %swap3A_58] {strides = array<i32>} : memref<128x128xf32, #tpu.memory_space<vmem>>, vector<16xf32>,
      tpu.vector_store %arg8[%swap3A_57, %swap3A_58], %broadcast_in_dim3A_0 {strides = array<i32>} : memref<128x128xf32, #tpu.memory_space<vmem>>, vector<16xf32>,
    }
    %scan3A_4 = arith.constant 128 : i32
    %mul3A = arith.constant 640 : i32
    %mul3A_5 = arith.muli %arg1, %mul3A : i32
    %add3A = arith.constant 0 : i32
    %add3A_6 = arith.addi %mul3A_5, %add3A : i32
    "tpu.region"() ({
      %run_scoped3A = tpu.sem_alloc : memref<!tpu.dma_semaphore, #tpu.memory_space<semaphore_mem>>
      %dma_start3A = arith.constant 0 : i32
      %dma_start3A_36 = arith.constant 0 : i32
      %dma_start3A_37 = tpu.memref_slice %arg8[%dma_start3A, %dma_start3A_36] : memref<128x128xf32, #tpu.memory_space<vmem>> -> memref<128x128xf32, #tpu.memory_space<vmem>>
      %dma_start3A_38 = arith.constant 0 : i32
      %dma_start3A_39 = tpu.memref_slice %arg9[%add3A_6, %dma_start3A_38] : memref<10240x128xf32, #tpu.memory_space<vmem_shared>> -> memref<128x128xf32, #tpu.memory_space<vmem_shared>>
      %dma_start3A_40 = arith.constant 0 : i32
      %dma_start3A_41 = tpu.memref_slice %arg9[%add3A_6, %dma_start3A_40] : memref<10240x128xf32, #tpu.memory_space<vmem_shared>> -> memref<128x128xf32, #tpu.memory_space<vmem_shared>>
      %dma_start3A_42 = arith.constant 0 : i32
      %dma_start3A_43 = arith.constant 0 : i32
      %dma_start3A_44 = tpu.memref_slice %arg8[%dma_start3A_42, %dma_start3A_43] : memref<128x128xf32, #tpu.memory_space<vmem>> -> memref<128x128xf32, #tpu.memory_space<vmem>>
      tpu.enqueue_dma source(%dma_start3A_44 : memref<128x128xf32, #tpu.memory_space<vmem>>) target(%dma_start3A_41 : memref<128x128xf32, #tpu.memory_space<vmem_shared>>) target_semaphore(%run_scoped3A : memref<!tpu.dma_semaphore, #tpu.memory_space<semaphore_mem>>)
      %dma_wait3A = arith.constant 0 : i32
      %dma_wait3A_45 = arith.constant 0 : i32
      %dma_wait3A_46 = tpu.memref_slice %arg8[%dma_wait3A, %dma_wait3A_45] : memref<128x128xf32, #tpu.memory_space<vmem>> -> memref<128x128xf32, #tpu.memory_space<vmem>>
      %dma_wait3A_47 = arith.constant 0 : i32
      %dma_wait3A_48 = tpu.memref_slice %arg9[%add3A_6, %dma_wait3A_47] : memref<10240x128xf32, #tpu.memory_space<vmem_shared>> -> memref<128x128xf32, #tpu.memory_space<vmem_shared>>
      %dma_wait3A_49 = arith.constant 0 : i32
      %dma_wait3A_50 = tpu.memref_slice %arg9[%add3A_6, %dma_wait3A_49] : memref<10240x128xf32, #tpu.memory_space<vmem_shared>> -> memref<128x128xf32, #tpu.memory_space<vmem_shared>>
      %dma_wait3A_51 = arith.constant 0 : i32
      %dma_wait3A_52 = arith.constant 0 : i32
      %dma_wait3A_53 = tpu.memref_slice %arg8[%dma_wait3A_51, %dma_wait3A_52] : memref<128x128xf32, #tpu.memory_space<vmem>> -> memref<128x128xf32, #tpu.memory_space<vmem>>
      tpu.wait_dma2 semaphore(%run_scoped3A : memref<!tpu.dma_semaphore, #tpu.memory_space<semaphore_mem>>) src(%dma_wait3A_53 : memref<128x128xf32, #tpu.memory_space<vmem>>) dst(%dma_wait3A_50 : memref<128x128xf32, #tpu.memory_space<vmem_shared>>)
      tpu.yield
    }) : () -> ()
    %add3A_7 = arith.constant 128 : i32
    %add3A_8 = arith.addi %mul3A_5, %add3A_7 : i32
    "tpu.region"() ({
      %run_scoped3A = tpu.sem_alloc : memref<!tpu.dma_semaphore, #tpu.memory_space<semaphore_mem>>
      %dma_start3A = arith.constant 0 : i32
      %dma_start3A_36 = arith.constant 0 : i32
      %dma_start3A_37 = tpu.memref_slice %arg8[%dma_start3A, %dma_start3A_36] : memref<128x128xf32, #tpu.memory_space<vmem>> -> memref<128x128xf32, #tpu.memory_space<vmem>>
      %dma_start3A_38 = arith.constant 0 : i32
      %dma_start3A_39 = tpu.memref_slice %arg9[%add3A_8, %dma_start3A_38] : memref<10240x128xf32, #tpu.memory_space<vmem_shared>> -> memref<128x128xf32, #tpu.memory_space<vmem_shared>>
      %dma_start3A_40 = arith.constant 0 : i32
      %dma_start3A_41 = tpu.memref_slice %arg9[%add3A_8, %dma_start3A_40] : memref<10240x128xf32, #tpu.memory_space<vmem_shared>> -> memref<128x128xf32, #tpu.memory_space<vmem_shared>>
      %dma_start3A_42 = arith.constant 0 : i32
      %dma_start3A_43 = arith.constant 0 : i32
      %dma_start3A_44 = tpu.memref_slice %arg8[%dma_start3A_42, %dma_start3A_43] : memref<128x128xf32, #tpu.memory_space<vmem>> -> memref<128x128xf32, #tpu.memory_space<vmem>>
      tpu.enqueue_dma source(%dma_start3A_44 : memref<128x128xf32, #tpu.memory_space<vmem>>) target(%dma_start3A_41 : memref<128x128xf32, #tpu.memory_space<vmem_shared>>) target_semaphore(%run_scoped3A : memref<!tpu.dma_semaphore, #tpu.memory_space<semaphore_mem>>)
      %dma_wait3A = arith.constant 0 : i32
      %dma_wait3A_45 = arith.constant 0 : i32
      %dma_wait3A_46 = tpu.memref_slice %arg8[%dma_wait3A, %dma_wait3A_45] : memref<128x128xf32, #tpu.memory_space<vmem>> -> memref<128x128xf32, #tpu.memory_space<vmem>>
      %dma_wait3A_47 = arith.constant 0 : i32
      %dma_wait3A_48 = tpu.memref_slice %arg9[%add3A_8, %dma_wait3A_47] : memref<10240x128xf32, #tpu.memory_space<vmem_shared>> -> memref<128x128xf32, #tpu.memory_space<vmem_shared>>
      %dma_wait3A_49 = arith.constant 0 : i32
      %dma_wait3A_50 = tpu.memref_slice %arg9[%add3A_8, %dma_wait3A_49] : memref<10240x128xf32, #tpu.memory_space<vmem_shared>> -> memref<128x128xf32, #tpu.memory_space<vmem_shared>>
      %dma_wait3A_51 = arith.constant 0 : i32
      %dma_wait3A_52 = arith.constant 0 : i32
      %dma_wait3A_53 = tpu.memref_slice %arg8[%dma_wait3A_51, %dma_wait3A_52] : memref<128x128xf32, #tpu.memory_space<vmem>> -> memref<128x128xf32, #tpu.memory_space<vmem>>
      tpu.wait_dma2 semaphore(%run_scoped3A : memref<!tpu.dma_semaphore, #tpu.memory_space<semaphore_mem>>) src(%dma_wait3A_53 : memref<128x128xf32, #tpu.memory_space<vmem>>) dst(%dma_wait3A_50 : memref<128x128xf32, #tpu.memory_space<vmem_shared>>)
      tpu.yield
    }) : () -> ()
    %add3A_9 = arith.constant 256 : i32
    %add3A_10 = arith.addi %mul3A_5, %add3A_9 : i32
    "tpu.region"() ({
      %run_scoped3A = tpu.sem_alloc : memref<!tpu.dma_semaphore, #tpu.memory_space<semaphore_mem>>
      %dma_start3A = arith.constant 0 : i32
      %dma_start3A_36 = arith.constant 0 : i32
      %dma_start3A_37 = tpu.memref_slice %arg8[%dma_start3A, %dma_start3A_36] : memref<128x128xf32, #tpu.memory_space<vmem>> -> memref<128x128xf32, #tpu.memory_space<vmem>>
      %dma_start3A_38 = arith.constant 0 : i32
      %dma_start3A_39 = tpu.memref_slice %arg9[%add3A_10, %dma_start3A_38] : memref<10240x128xf32, #tpu.memory_space<vmem_shared>> -> memref<128x128xf32, #tpu.memory_space<vmem_shared>>
      %dma_start3A_40 = arith.constant 0 : i32
      %dma_start3A_41 = tpu.memref_slice %arg9[%add3A_10, %dma_start3A_40] : memref<10240x128xf32, #tpu.memory_space<vmem_shared>> -> memref<128x128xf32, #tpu.memory_space<vmem_shared>>
      %dma_start3A_42 = arith.constant 0 : i32
      %dma_start3A_43 = arith.constant 0 : i32
      %dma_start3A_44 = tpu.memref_slice %arg8[%dma_start3A_42, %dma_start3A_43] : memref<128x128xf32, #tpu.memory_space<vmem>> -> memref<128x128xf32, #tpu.memory_space<vmem>>
      tpu.enqueue_dma source(%dma_start3A_44 : memref<128x128xf32, #tpu.memory_space<vmem>>) target(%dma_start3A_41 : memref<128x128xf32, #tpu.memory_space<vmem_shared>>) target_semaphore(%run_scoped3A : memref<!tpu.dma_semaphore, #tpu.memory_space<semaphore_mem>>)
      %dma_wait3A = arith.constant 0 : i32
      %dma_wait3A_45 = arith.constant 0 : i32
      %dma_wait3A_46 = tpu.memref_slice %arg8[%dma_wait3A, %dma_wait3A_45] : memref<128x128xf32, #tpu.memory_space<vmem>> -> memref<128x128xf32, #tpu.memory_space<vmem>>
      %dma_wait3A_47 = arith.constant 0 : i32
      %dma_wait3A_48 = tpu.memref_slice %arg9[%add3A_10, %dma_wait3A_47] : memref<10240x128xf32, #tpu.memory_space<vmem_shared>> -> memref<128x128xf32, #tpu.memory_space<vmem_shared>>
      %dma_wait3A_49 = arith.constant 0 : i32
      %dma_wait3A_50 = tpu.memref_slice %arg9[%add3A_10, %dma_wait3A_49] : memref<10240x128xf32, #tpu.memory_space<vmem_shared>> -> memref<128x128xf32, #tpu.memory_space<vmem_shared>>
      %dma_wait3A_51 = arith.constant 0 : i32
      %dma_wait3A_52 = arith.constant 0 : i32
      %dma_wait3A_53 = tpu.memref_slice %arg8[%dma_wait3A_51, %dma_wait3A_52] : memref<128x128xf32, #tpu.memory_space<vmem>> -> memref<128x128xf32, #tpu.memory_space<vmem>>
      tpu.wait_dma2 semaphore(%run_scoped3A : memref<!tpu.dma_semaphore, #tpu.memory_space<semaphore_mem>>) src(%dma_wait3A_53 : memref<128x128xf32, #tpu.memory_space<vmem>>) dst(%dma_wait3A_50 : memref<128x128xf32, #tpu.memory_space<vmem_shared>>)
      tpu.yield
    }) : () -> ()
    %add3A_11 = arith.constant 384 : i32
    %add3A_12 = arith.addi %mul3A_5, %add3A_11 : i32
    "tpu.region"() ({
      %run_scoped3A = tpu.sem_alloc : memref<!tpu.dma_semaphore, #tpu.memory_space<semaphore_mem>>
      %dma_start3A = arith.constant 0 : i32
      %dma_start3A_36 = arith.constant 0 : i32
      %dma_start3A_37 = tpu.memref_slice %arg8[%dma_start3A, %dma_start3A_36] : memref<128x128xf32, #tpu.memory_space<vmem>> -> memref<128x128xf32, #tpu.memory_space<vmem>>
      %dma_start3A_38 = arith.constant 0 : i32
      %dma_start3A_39 = tpu.memref_slice %arg9[%add3A_12, %dma_start3A_38] : memref<10240x128xf32, #tpu.memory_space<vmem_shared>> -> memref<128x128xf32, #tpu.memory_space<vmem_shared>>
      %dma_start3A_40 = arith.constant 0 : i32
      %dma_start3A_41 = tpu.memref_slice %arg9[%add3A_12, %dma_start3A_40] : memref<10240x128xf32, #tpu.memory_space<vmem_shared>> -> memref<128x128xf32, #tpu.memory_space<vmem_shared>>
      %dma_start3A_42 = arith.constant 0 : i32
      %dma_start3A_43 = arith.constant 0 : i32
      %dma_start3A_44 = tpu.memref_slice %arg8[%dma_start3A_42, %dma_start3A_43] : memref<128x128xf32, #tpu.memory_space<vmem>> -> memref<128x128xf32, #tpu.memory_space<vmem>>
      tpu.enqueue_dma source(%dma_start3A_44 : memref<128x128xf32, #tpu.memory_space<vmem>>) target(%dma_start3A_41 : memref<128x128xf32, #tpu.memory_space<vmem_shared>>) target_semaphore(%run_scoped3A : memref<!tpu.dma_semaphore, #tpu.memory_space<semaphore_mem>>)
      %dma_wait3A = arith.constant 0 : i32
      %dma_wait3A_45 = arith.constant 0 : i32
      %dma_wait3A_46 = tpu.memref_slice %arg8[%dma_wait3A, %dma_wait3A_45] : memref<128x128xf32, #tpu.memory_space<vmem>> -> memref<128x128xf32, #tpu.memory_space<vmem>>
      %dma_wait3A_47 = arith.constant 0 : i32
      %dma_wait3A_48 = tpu.memref_slice %arg9[%add3A_12, %dma_wait3A_47] : memref<10240x128xf32, #tpu.memory_space<vmem_shared>> -> memref<128x128xf32, #tpu.memory_space<vmem_shared>>
      %dma_wait3A_49 = arith.constant 0 : i32
      %dma_wait3A_50 = tpu.memref_slice %arg9[%add3A_12, %dma_wait3A_49] : memref<10240x128xf32, #tpu.memory_space<vmem_shared>> -> memref<128x128xf32, #tpu.memory_space<vmem_shared>>
      %dma_wait3A_51 = arith.constant 0 : i32
      %dma_wait3A_52 = arith.constant 0 : i32
      %dma_wait3A_53 = tpu.memref_slice %arg8[%dma_wait3A_51, %dma_wait3A_52] : memref<128x128xf32, #tpu.memory_space<vmem>> -> memref<128x128xf32, #tpu.memory_space<vmem>>
      tpu.wait_dma2 semaphore(%run_scoped3A : memref<!tpu.dma_semaphore, #tpu.memory_space<semaphore_mem>>) src(%dma_wait3A_53 : memref<128x128xf32, #tpu.memory_space<vmem>>) dst(%dma_wait3A_50 : memref<128x128xf32, #tpu.memory_space<vmem_shared>>)
      tpu.yield
    }) : () -> ()
    %add3A_13 = arith.constant 512 : i32
    %add3A_14 = arith.addi %mul3A_5, %add3A_13 : i32
    "tpu.region"() ({
      %run_scoped3A = tpu.sem_alloc : memref<!tpu.dma_semaphore, #tpu.memory_space<semaphore_mem>>
      %dma_start3A = arith.constant 0 : i32
      %dma_start3A_36 = arith.constant 0 : i32
      %dma_start3A_37 = tpu.memref_slice %arg8[%dma_start3A, %dma_start3A_36] : memref<128x128xf32, #tpu.memory_space<vmem>> -> memref<128x128xf32, #tpu.memory_space<vmem>>
      %dma_start3A_38 = arith.constant 0 : i32
      %dma_start3A_39 = tpu.memref_slice %arg9[%add3A_14, %dma_start3A_38] : memref<10240x128xf32, #tpu.memory_space<vmem_shared>> -> memref<128x128xf32, #tpu.memory_space<vmem_shared>>
      %dma_start3A_40 = arith.constant 0 : i32
      %dma_start3A_41 = tpu.memref_slice %arg9[%add3A_14, %dma_start3A_40] : memref<10240x128xf32, #tpu.memory_space<vmem_shared>> -> memref<128x128xf32, #tpu.memory_space<vmem_shared>>
      %dma_start3A_42 = arith.constant 0 : i32
      %dma_start3A_43 = arith.constant 0 : i32
      %dma_start3A_44 = tpu.memref_slice %arg8[%dma_start3A_42, %dma_start3A_43] : memref<128x128xf32, #tpu.memory_space<vmem>> -> memref<128x128xf32, #tpu.memory_space<vmem>>
      tpu.enqueue_dma source(%dma_start3A_44 : memref<128x128xf32, #tpu.memory_space<vmem>>) target(%dma_start3A_41 : memref<128x128xf32, #tpu.memory_space<vmem_shared>>) target_semaphore(%run_scoped3A : memref<!tpu.dma_semaphore, #tpu.memory_space<semaphore_mem>>)
      %dma_wait3A = arith.constant 0 : i32
      %dma_wait3A_45 = arith.constant 0 : i32
      %dma_wait3A_46 = tpu.memref_slice %arg8[%dma_wait3A, %dma_wait3A_45] : memref<128x128xf32, #tpu.memory_space<vmem>> -> memref<128x128xf32, #tpu.memory_space<vmem>>
      %dma_wait3A_47 = arith.constant 0 : i32
      %dma_wait3A_48 = tpu.memref_slice %arg9[%add3A_14, %dma_wait3A_47] : memref<10240x128xf32, #tpu.memory_space<vmem_shared>> -> memref<128x128xf32, #tpu.memory_space<vmem_shared>>
      %dma_wait3A_49 = arith.constant 0 : i32
      %dma_wait3A_50 = tpu.memref_slice %arg9[%add3A_14, %dma_wait3A_49] : memref<10240x128xf32, #tpu.memory_space<vmem_shared>> -> memref<128x128xf32, #tpu.memory_space<vmem_shared>>
      %dma_wait3A_51 = arith.constant 0 : i32
      %dma_wait3A_52 = arith.constant 0 : i32
      %dma_wait3A_53 = tpu.memref_slice %arg8[%dma_wait3A_51, %dma_wait3A_52] : memref<128x128xf32, #tpu.memory_space<vmem>> -> memref<128x128xf32, #tpu.memory_space<vmem>>
      tpu.wait_dma2 semaphore(%run_scoped3A : memref<!tpu.dma_semaphore, #tpu.memory_space<semaphore_mem>>) src(%dma_wait3A_53 : memref<128x128xf32, #tpu.memory_space<vmem>>) dst(%dma_wait3A_50 : memref<128x128xf32, #tpu.memory_space<vmem_shared>>)
      tpu.yield
    }) : () -> ()
    %barrier3A = arith.constant 0 : index
    tpu.barrier barrier_id(%barrier3A)
    %eq3A = arith.constant 0 : i32
    %eq3A_15 = arith.cmpi eq, %arg0, %eq3A : i32
    %jit3A = arith.constant 76 : i32
    %jit3A_16 = arith.constant 81 : i32
    %select_n3A = arith.select %eq3A_15, %jit3A, %jit3A_16 : i32
    %while3A = arith.constant 0 : i32
    %while3A_17 = arith.subi %select_n3A, %while3A : i32
    %while3A_18 = arith.addi %while3A, %while3A_17 : i32
    %while3A_19 = arith.constant 1 : i32
    %while3A_20 = arith.divsi %while3A_17, %while3A_19 : i32
    %while3A_21 = arith.muli %while3A_20, %while3A_19 : i32
    %while3A_22 = arith.addi %while3A, %while3A_21 : i32
    %while3A_23 = arith.constant 1 : i32
    scf.for %while3A_36 = %while3A to %while3A_22 step %while3A_23  : i32 {
      "tpu.region"() ({
        %run_scoped3A = tpu.sem_alloc : memref<!tpu.dma_semaphore, #tpu.memory_space<semaphore_mem>>
        %dma_start3A = arith.constant 0 : i32
        %dma_start3A_37 = tpu.memref_slice %arg6[%while3A_36, %dma_start3A] : memref<81x128xi32, #tpu.memory_space<vmem>> -> memref<1x128xi32, #tpu.memory_space<vmem>>
        %dma_start3A_38 = tpu.memref_squeeze %dma_start3A_37 : memref<1x128xi32, #tpu.memory_space<vmem>> -> memref<128xi32, #tpu.memory_space<vmem>>
        %dma_start3A_39 = arith.constant 0 : i32
        %dma_start3A_40 = arith.constant 0 : i32
        %dma_start3A_41 = tpu.memref_slice %arg2[%dma_start3A_39, %dma_start3A_40] : memref<10240x128xf32, #tpu.memory_space<hbm>> -> memref<10240x128xf32, #tpu.memory_space<hbm>>
        tpu.enqueue_indirect_dma source(%dma_start3A_41 : memref<10240x128xf32, #tpu.memory_space<hbm>>) target(%arg8 : memref<128x128xf32, #tpu.memory_space<vmem>>) offsets(%dma_start3A_38 : memref<128xi32, #tpu.memory_space<vmem>>) semaphore(%run_scoped3A : memref<!tpu.dma_semaphore, #tpu.memory_space<semaphore_mem>>)
        %dma_wait3A = arith.constant 0 : i32
        %dma_wait3A_42 = tpu.memref_slice %arg6[%while3A_36, %dma_wait3A] : memref<81x128xi32, #tpu.memory_space<vmem>> -> memref<1x128xi32, #tpu.memory_space<vmem>>
        %dma_wait3A_43 = tpu.memref_squeeze %dma_wait3A_42 : memref<1x128xi32, #tpu.memory_space<vmem>> -> memref<128xi32, #tpu.memory_space<vmem>>
        %dma_wait3A_44 = arith.constant 0 : i32
        %dma_wait3A_45 = arith.constant 0 : i32
        %dma_wait3A_46 = tpu.memref_slice %arg2[%dma_wait3A_44, %dma_wait3A_45] : memref<10240x128xf32, #tpu.memory_space<hbm>> -> memref<10240x128xf32, #tpu.memory_space<hbm>>
        tpu.wait_indirect_dma semaphore(%run_scoped3A : memref<!tpu.dma_semaphore, #tpu.memory_space<semaphore_mem>>) src(%dma_wait3A_46 : memref<10240x128xf32, #tpu.memory_space<hbm>>) dst(%arg8 : memref<128x128xf32, #tpu.memory_space<vmem>>)
        tpu.yield
      }) : () -> ()
      "tpu.region"() ({
        %run_scoped3A = tpu.sem_alloc : memref<!tpu.dma_semaphore, #tpu.memory_space<semaphore_mem>>
        %dma_start3A = arith.constant 0 : i32
        %dma_start3A_37 = tpu.memref_slice %arg7[%while3A_36, %dma_start3A] : memref<81x128xi32, #tpu.memory_space<vmem>> -> memref<1x128xi32, #tpu.memory_space<vmem>>
        %dma_start3A_38 = tpu.memref_squeeze %dma_start3A_37 : memref<1x128xi32, #tpu.memory_space<vmem>> -> memref<128xi32, #tpu.memory_space<vmem>>
        %dma_start3A_39 = arith.constant 0 : i32
        %dma_start3A_40 = arith.constant 0 : i32
        %dma_start3A_41 = tpu.memref_slice %arg9[%dma_start3A_39, %dma_start3A_40] : memref<10240x128xf32, #tpu.memory_space<vmem_shared>> -> memref<10240x128xf32, #tpu.memory_space<vmem_shared>>
        tpu.enqueue_indirect_dma source(%arg8 : memref<128x128xf32, #tpu.memory_space<vmem>>) target(%dma_start3A_41 : memref<10240x128xf32, #tpu.memory_space<vmem_shared>>) offsets(%dma_start3A_38 : memref<128xi32, #tpu.memory_space<vmem>>) semaphore(%run_scoped3A : memref<!tpu.dma_semaphore, #tpu.memory_space<semaphore_mem>>) {add = true}
        %dma_wait3A = arith.constant 0 : i32
        %dma_wait3A_42 = tpu.memref_slice %arg7[%while3A_36, %dma_wait3A] : memref<81x128xi32, #tpu.memory_space<vmem>> -> memref<1x128xi32, #tpu.memory_space<vmem>>
        %dma_wait3A_43 = tpu.memref_squeeze %dma_wait3A_42 : memref<1x128xi32, #tpu.memory_space<vmem>> -> memref<128xi32, #tpu.memory_space<vmem>>
        %dma_wait3A_44 = arith.constant 0 : i32
        %dma_wait3A_45 = arith.constant 0 : i32
        %dma_wait3A_46 = tpu.memref_slice %arg9[%dma_wait3A_44, %dma_wait3A_45] : memref<10240x128xf32, #tpu.memory_space<vmem_shared>> -> memref<10240x128xf32, #tpu.memory_space<vmem_shared>>
        tpu.wait_indirect_dma semaphore(%run_scoped3A : memref<!tpu.dma_semaphore, #tpu.memory_space<semaphore_mem>>) src(%arg8 : memref<128x128xf32, #tpu.memory_space<vmem>>) dst(%dma_wait3A_46 : memref<10240x128xf32, #tpu.memory_space<vmem_shared>>)
        tpu.yield
      }) : () -> ()
    }
    %while3A_24 = arith.constant 1 : i32
    scf.for %while3A_36 = %while3A_22 to %while3A_18 step %while3A_24  : i32 {
      "tpu.region"() ({
        %run_scoped3A = tpu.sem_alloc : memref<!tpu.dma_semaphore, #tpu.memory_space<semaphore_mem>>
        %dma_start3A = arith.constant 0 : i32
        %dma_start3A_37 = tpu.memref_slice %arg6[%while3A_36, %dma_start3A] : memref<81x128xi32, #tpu.memory_space<vmem>> -> memref<1x128xi32, #tpu.memory_space<vmem>>
        %dma_start3A_38 = tpu.memref_squeeze %dma_start3A_37 : memref<1x128xi32, #tpu.memory_space<vmem>> -> memref<128xi32, #tpu.memory_space<vmem>>
        %dma_start3A_39 = arith.constant 0 : i32
        %dma_start3A_40 = arith.constant 0 : i32
        %dma_start3A_41 = tpu.memref_slice %arg2[%dma_start3A_39, %dma_start3A_40] : memref<10240x128xf32, #tpu.memory_space<hbm>> -> memref<10240x128xf32, #tpu.memory_space<hbm>>
        tpu.enqueue_indirect_dma source(%dma_start3A_41 : memref<10240x128xf32, #tpu.memory_space<hbm>>) target(%arg8 : memref<128x128xf32, #tpu.memory_space<vmem>>) offsets(%dma_start3A_38 : memref<128xi32, #tpu.memory_space<vmem>>) semaphore(%run_scoped3A : memref<!tpu.dma_semaphore, #tpu.memory_space<semaphore_mem>>)
        %dma_wait3A = arith.constant 0 : i32
        %dma_wait3A_42 = tpu.memref_slice %arg6[%while3A_36, %dma_wait3A] : memref<81x128xi32, #tpu.memory_space<vmem>> -> memref<1x128xi32, #tpu.memory_space<vmem>>
        %dma_wait3A_43 = tpu.memref_squeeze %dma_wait3A_42 : memref<1x128xi32, #tpu.memory_space<vmem>> -> memref<128xi32, #tpu.memory_space<vmem>>
        %dma_wait3A_44 = arith.constant 0 : i32
        %dma_wait3A_45 = arith.constant 0 : i32
        %dma_wait3A_46 = tpu.memref_slice %arg2[%dma_wait3A_44, %dma_wait3A_45] : memref<10240x128xf32, #tpu.memory_space<hbm>> -> memref<10240x128xf32, #tpu.memory_space<hbm>>
        tpu.wait_indirect_dma semaphore(%run_scoped3A : memref<!tpu.dma_semaphore, #tpu.memory_space<semaphore_mem>>) src(%dma_wait3A_46 : memref<10240x128xf32, #tpu.memory_space<hbm>>) dst(%arg8 : memref<128x128xf32, #tpu.memory_space<vmem>>)
        tpu.yield
      }) : () -> ()
      "tpu.region"() ({
        %run_scoped3A = tpu.sem_alloc : memref<!tpu.dma_semaphore, #tpu.memory_space<semaphore_mem>>
        %dma_start3A = arith.constant 0 : i32
        %dma_start3A_37 = tpu.memref_slice %arg7[%while3A_36, %dma_start3A] : memref<81x128xi32, #tpu.memory_space<vmem>> -> memref<1x128xi32, #tpu.memory_space<vmem>>
        %dma_start3A_38 = tpu.memref_squeeze %dma_start3A_37 : memref<1x128xi32, #tpu.memory_space<vmem>> -> memref<128xi32, #tpu.memory_space<vmem>>
        %dma_start3A_39 = arith.constant 0 : i32
        %dma_start3A_40 = arith.constant 0 : i32
        %dma_start3A_41 = tpu.memref_slice %arg9[%dma_start3A_39, %dma_start3A_40] : memref<10240x128xf32, #tpu.memory_space<vmem_shared>> -> memref<10240x128xf32, #tpu.memory_space<vmem_shared>>
        tpu.enqueue_indirect_dma source(%arg8 : memref<128x128xf32, #tpu.memory_space<vmem>>) target(%dma_start3A_41 : memref<10240x128xf32, #tpu.memory_space<vmem_shared>>) offsets(%dma_start3A_38 : memref<128xi32, #tpu.memory_space<vmem>>) semaphore(%run_scoped3A : memref<!tpu.dma_semaphore, #tpu.memory_space<semaphore_mem>>) {add = true}
        %dma_wait3A = arith.constant 0 : i32
        %dma_wait3A_42 = tpu.memref_slice %arg7[%while3A_36, %dma_wait3A] : memref<81x128xi32, #tpu.memory_space<vmem>> -> memref<1x128xi32, #tpu.memory_space<vmem>>
        %dma_wait3A_43 = tpu.memref_squeeze %dma_wait3A_42 : memref<1x128xi32, #tpu.memory_space<vmem>> -> memref<128xi32, #tpu.memory_space<vmem>>
        %dma_wait3A_44 = arith.constant 0 : i32
        %dma_wait3A_45 = arith.constant 0 : i32
        %dma_wait3A_46 = tpu.memref_slice %arg9[%dma_wait3A_44, %dma_wait3A_45] : memref<10240x128xf32, #tpu.memory_space<vmem_shared>> -> memref<10240x128xf32, #tpu.memory_space<vmem_shared>>
        tpu.wait_indirect_dma semaphore(%run_scoped3A : memref<!tpu.dma_semaphore, #tpu.memory_space<semaphore_mem>>) src(%arg8 : memref<128x128xf32, #tpu.memory_space<vmem>>) dst(%dma_wait3A_46 : memref<10240x128xf32, #tpu.memory_space<vmem_shared>>)
        tpu.yield
      }) : () -> ()
    }
    %barrier3A_25 = arith.constant 0 : index
    tpu.barrier barrier_id(%barrier3A_25)
    %add3A_26 = arith.constant 0 : i32
    %add3A_27 = arith.addi %mul3A_5, %add3A_26 : i32
    "tpu.region"() ({
      %run_scoped3A = tpu.sem_alloc : memref<!tpu.dma_semaphore, #tpu.memory_space<semaphore_mem>>
      %dma_start3A = arith.constant 0 : i32
      %dma_start3A_36 = tpu.memref_slice %arg5[%arg0, %add3A_27, %dma_start3A] : memref<2x10240x128xf32, #tpu.memory_space<hbm>> -> memref<1x128x128xf32, #tpu.memory_space<hbm>>
      %dma_start3A_37 = tpu.memref_squeeze %dma_start3A_36 : memref<1x128x128xf32, #tpu.memory_space<hbm>> -> memref<128x128xf32, #tpu.memory_space<hbm>>
      %dma_start3A_38 = arith.constant 0 : i32
      %dma_start3A_39 = tpu.memref_slice %arg9[%add3A_27, %dma_start3A_38] : memref<10240x128xf32, #tpu.memory_space<vmem_shared>> -> memref<128x128xf32, #tpu.memory_space<vmem_shared>>
      tpu.enqueue_dma source(%dma_start3A_39 : memref<128x128xf32, #tpu.memory_space<vmem_shared>>) target(%dma_start3A_37 : memref<128x128xf32, #tpu.memory_space<hbm>>) target_semaphore(%run_scoped3A : memref<!tpu.dma_semaphore, #tpu.memory_space<semaphore_mem>>)
      %dma_wait3A = arith.constant 0 : i32
      %dma_wait3A_40 = tpu.memref_slice %arg5[%arg0, %add3A_27, %dma_wait3A] : memref<2x10240x128xf32, #tpu.memory_space<hbm>> -> memref<1x128x128xf32, #tpu.memory_space<hbm>>
      %dma_wait3A_41 = tpu.memref_squeeze %dma_wait3A_40 : memref<1x128x128xf32, #tpu.memory_space<hbm>> -> memref<128x128xf32, #tpu.memory_space<hbm>>
      %dma_wait3A_42 = arith.constant 0 : i32
      %dma_wait3A_43 = tpu.memref_slice %arg9[%add3A_27, %dma_wait3A_42] : memref<10240x128xf32, #tpu.memory_space<vmem_shared>> -> memref<128x128xf32, #tpu.memory_space<vmem_shared>>
      tpu.wait_dma2 semaphore(%run_scoped3A : memref<!tpu.dma_semaphore, #tpu.memory_space<semaphore_mem>>) src(%dma_wait3A_43 : memref<128x128xf32, #tpu.memory_space<vmem_shared>>) dst(%dma_wait3A_41 : memref<128x128xf32, #tpu.memory_space<hbm>>)
      tpu.yield
    }) : () -> ()
    %add3A_28 = arith.constant 128 : i32
    %add3A_29 = arith.addi %mul3A_5, %add3A_28 : i32
    "tpu.region"() ({
      %run_scoped3A = tpu.sem_alloc : memref<!tpu.dma_semaphore, #tpu.memory_space<semaphore_mem>>
      %dma_start3A = arith.constant 0 : i32
      %dma_start3A_36 = tpu.memref_slice %arg5[%arg0, %add3A_29, %dma_start3A] : memref<2x10240x128xf32, #tpu.memory_space<hbm>> -> memref<1x128x128xf32, #tpu.memory_space<hbm>>
      %dma_start3A_37 = tpu.memref_squeeze %dma_start3A_36 : memref<1x128x128xf32, #tpu.memory_space<hbm>> -> memref<128x128xf32, #tpu.memory_space<hbm>>
      %dma_start3A_38 = arith.constant 0 : i32
      %dma_start3A_39 = tpu.memref_slice %arg9[%add3A_29, %dma_start3A_38] : memref<10240x128xf32, #tpu.memory_space<vmem_shared>> -> memref<128x128xf32, #tpu.memory_space<vmem_shared>>
      tpu.enqueue_dma source(%dma_start3A_39 : memref<128x128xf32, #tpu.memory_space<vmem_shared>>) target(%dma_start3A_37 : memref<128x128xf32, #tpu.memory_space<hbm>>) target_semaphore(%run_scoped3A : memref<!tpu.dma_semaphore, #tpu.memory_space<semaphore_mem>>)
      %dma_wait3A = arith.constant 0 : i32
      %dma_wait3A_40 = tpu.memref_slice %arg5[%arg0, %add3A_29, %dma_wait3A] : memref<2x10240x128xf32, #tpu.memory_space<hbm>> -> memref<1x128x128xf32, #tpu.memory_space<hbm>>
      %dma_wait3A_41 = tpu.memref_squeeze %dma_wait3A_40 : memref<1x128x128xf32, #tpu.memory_space<hbm>> -> memref<128x128xf32, #tpu.memory_space<hbm>>
      %dma_wait3A_42 = arith.constant 0 : i32
      %dma_wait3A_43 = tpu.memref_slice %arg9[%add3A_29, %dma_wait3A_42] : memref<10240x128xf32, #tpu.memory_space<vmem_shared>> -> memref<128x128xf32, #tpu.memory_space<vmem_shared>>
      tpu.wait_dma2 semaphore(%run_scoped3A : memref<!tpu.dma_semaphore, #tpu.memory_space<semaphore_mem>>) src(%dma_wait3A_43 : memref<128x128xf32, #tpu.memory_space<vmem_shared>>) dst(%dma_wait3A_41 : memref<128x128xf32, #tpu.memory_space<hbm>>)
      tpu.yield
    }) : () -> ()
    %add3A_30 = arith.constant 256 : i32
    %add3A_31 = arith.addi %mul3A_5, %add3A_30 : i32
    "tpu.region"() ({
      %run_scoped3A = tpu.sem_alloc : memref<!tpu.dma_semaphore, #tpu.memory_space<semaphore_mem>>
      %dma_start3A = arith.constant 0 : i32
      %dma_start3A_36 = tpu.memref_slice %arg5[%arg0, %add3A_31, %dma_start3A] : memref<2x10240x128xf32, #tpu.memory_space<hbm>> -> memref<1x128x128xf32, #tpu.memory_space<hbm>>
      %dma_start3A_37 = tpu.memref_squeeze %dma_start3A_36 : memref<1x128x128xf32, #tpu.memory_space<hbm>> -> memref<128x128xf32, #tpu.memory_space<hbm>>
      %dma_start3A_38 = arith.constant 0 : i32
      %dma_start3A_39 = tpu.memref_slice %arg9[%add3A_31, %dma_start3A_38] : memref<10240x128xf32, #tpu.memory_space<vmem_shared>> -> memref<128x128xf32, #tpu.memory_space<vmem_shared>>
      tpu.enqueue_dma source(%dma_start3A_39 : memref<128x128xf32, #tpu.memory_space<vmem_shared>>) target(%dma_start3A_37 : memref<128x128xf32, #tpu.memory_space<hbm>>) target_semaphore(%run_scoped3A : memref<!tpu.dma_semaphore, #tpu.memory_space<semaphore_mem>>)
      %dma_wait3A = arith.constant 0 : i32
      %dma_wait3A_40 = tpu.memref_slice %arg5[%arg0, %add3A_31, %dma_wait3A] : memref<2x10240x128xf32, #tpu.memory_space<hbm>> -> memref<1x128x128xf32, #tpu.memory_space<hbm>>
      %dma_wait3A_41 = tpu.memref_squeeze %dma_wait3A_40 : memref<1x128x128xf32, #tpu.memory_space<hbm>> -> memref<128x128xf32, #tpu.memory_space<hbm>>
      %dma_wait3A_42 = arith.constant 0 : i32
      %dma_wait3A_43 = tpu.memref_slice %arg9[%add3A_31, %dma_wait3A_42] : memref<10240x128xf32, #tpu.memory_space<vmem_shared>> -> memref<128x128xf32, #tpu.memory_space<vmem_shared>>
      tpu.wait_dma2 semaphore(%run_scoped3A : memref<!tpu.dma_semaphore, #tpu.memory_space<semaphore_mem>>) src(%dma_wait3A_43 : memref<128x128xf32, #tpu.memory_space<vmem_shared>>) dst(%dma_wait3A_41 : memref<128x128xf32, #tpu.memory_space<hbm>>)
      tpu.yield
    }) : () -> ()
    %add3A_32 = arith.constant 384 : i32
    %add3A_33 = arith.addi %mul3A_5, %add3A_32 : i32
    "tpu.region"() ({
      %run_scoped3A = tpu.sem_alloc : memref<!tpu.dma_semaphore, #tpu.memory_space<semaphore_mem>>
      %dma_start3A = arith.constant 0 : i32
      %dma_start3A_36 = tpu.memref_slice %arg5[%arg0, %add3A_33, %dma_start3A] : memref<2x10240x128xf32, #tpu.memory_space<hbm>> -> memref<1x128x128xf32, #tpu.memory_space<hbm>>
      %dma_start3A_37 = tpu.memref_squeeze %dma_start3A_36 : memref<1x128x128xf32, #tpu.memory_space<hbm>> -> memref<128x128xf32, #tpu.memory_space<hbm>>
      %dma_start3A_38 = arith.constant 0 : i32
      %dma_start3A_39 = tpu.memref_slice %arg9[%add3A_33, %dma_start3A_38] : memref<10240x128xf32, #tpu.memory_space<vmem_shared>> -> memref<128x128xf32, #tpu.memory_space<vmem_shared>>
      tpu.enqueue_dma source(%dma_start3A_39 : memref<128x128xf32, #tpu.memory_space<vmem_shared>>) target(%dma_start3A_37 : memref<128x128xf32, #tpu.memory_space<hbm>>) target_semaphore(%run_scoped3A : memref<!tpu.dma_semaphore, #tpu.memory_space<semaphore_mem>>)
      %dma_wait3A = arith.constant 0 : i32
      %dma_wait3A_40 = tpu.memref_slice %arg5[%arg0, %add3A_33, %dma_wait3A] : memref<2x10240x128xf32, #tpu.memory_space<hbm>> -> memref<1x128x128xf32, #tpu.memory_space<hbm>>
      %dma_wait3A_41 = tpu.memref_squeeze %dma_wait3A_40 : memref<1x128x128xf32, #tpu.memory_space<hbm>> -> memref<128x128xf32, #tpu.memory_space<hbm>>
      %dma_wait3A_42 = arith.constant 0 : i32
      %dma_wait3A_43 = tpu.memref_slice %arg9[%add3A_33, %dma_wait3A_42] : memref<10240x128xf32, #tpu.memory_space<vmem_shared>> -> memref<128x128xf32, #tpu.memory_space<vmem_shared>>
      tpu.wait_dma2 semaphore(%run_scoped3A : memref<!tpu.dma_semaphore, #tpu.memory_space<semaphore_mem>>) src(%dma_wait3A_43 : memref<128x128xf32, #tpu.memory_space<vmem_shared>>) dst(%dma_wait3A_41 : memref<128x128xf32, #tpu.memory_space<hbm>>)
      tpu.yield
    }) : () -> ()
    %add3A_34 = arith.constant 512 : i32
    %add3A_35 = arith.addi %mul3A_5, %add3A_34 : i32
    "tpu.region"() ({
      %run_scoped3A = tpu.sem_alloc : memref<!tpu.dma_semaphore, #tpu.memory_space<semaphore_mem>>
      %dma_start3A = arith.constant 0 : i32
      %dma_start3A_36 = tpu.memref_slice %arg5[%arg0, %add3A_35, %dma_start3A] : memref<2x10240x128xf32, #tpu.memory_space<hbm>> -> memref<1x128x128xf32, #tpu.memory_space<hbm>>
      %dma_start3A_37 = tpu.memref_squeeze %dma_start3A_36 : memref<1x128x128xf32, #tpu.memory_space<hbm>> -> memref<128x128xf32, #tpu.memory_space<hbm>>
      %dma_start3A_38 = arith.constant 0 : i32
      %dma_start3A_39 = tpu.memref_slice %arg9[%add3A_35, %dma_start3A_38] : memref<10240x128xf32, #tpu.memory_space<vmem_shared>> -> memref<128x128xf32, #tpu.memory_space<vmem_shared>>
      tpu.enqueue_dma source(%dma_start3A_39 : memref<128x128xf32, #tpu.memory_space<vmem_shared>>) target(%dma_start3A_37 : memref<128x128xf32, #tpu.memory_space<hbm>>) target_semaphore(%run_scoped3A : memref<!tpu.dma_semaphore, #tpu.memory_space<semaphore_mem>>)
      %dma_wait3A = arith.constant 0 : i32
      %dma_wait3A_40 = tpu.memref_slice %arg5[%arg0, %add3A_35, %dma_wait3A] : memref<2x10240x128xf32, #tpu.memory_space<hbm>> -> memref<1x128x128xf32, #tpu.memory_space<hbm>>
      %dma_wait3A_41 = tpu.memref_squeeze %dma_wait3A_40 : memref<1x128x128xf32, #tpu.memory_space<hbm>> -> memref<128x128xf32, #tpu.memory_space<hbm>>
      %dma_wait3A_42 = arith.constant 0 : i32
      %dma_wait3A_43 = tpu.memref_slice %arg9[%add3A_35, %dma_wait3A_42] : memref<10240x128xf32, #tpu.memory_space<vmem_shared>> -> memref<128x128xf32, #tpu.memory_space<vmem_shared>>
      tpu.wait_dma2 semaphore(%run_scoped3A : memref<!tpu.dma_semaphore, #tpu.memory_space<semaphore_mem>>) src(%dma_wait3A_43 : memref<128x128xf32, #tpu.memory_space<vmem_shared>>) dst(%dma_wait3A_41 : memref<128x128xf32, #tpu.memory_space<hbm>>)
      tpu.yield
    }) : () -> ()
    return
  }
}

#map = affine_map<(d0, d1) -> (0, 0)>
#map1 = affine_map<(d0, d1) -> (0, 0, 0, 0)>
#map2 = affine_map<(d0, d1) -> (0, 0, 0)>
module attributes {stable_mosaic.version = 14 : i64} {
  func.func @_edge_body(%arg0: i32, %arg1: i32, %arg2: memref<10240x128xf32, #tpu.memory_space<hbm>>, %arg3: memref<2x16x81x128xi32, #tpu.memory_space<hbm>>, %arg4: memref<2x16x81x128xi32, #tpu.memory_space<hbm>>, %arg5: memref<2x10240x128xf32, #tpu.memory_space<hbm>>, %arg6: memref<81x128xi32, #tpu.memory_space<vmem>>, %arg7: memref<81x128xi32, #tpu.memory_space<vmem>>, %arg8: memref<128x128xf32, #tpu.memory_space<vmem>>, %arg9: memref<10240x128xf32, #tpu.memory_space<vmem_shared>>) attributes {dimension_semantics = [#tpu.dimension_semantics<core_parallel>, #tpu.dimension_semantics<subcore_parallel>], iteration_bounds = array<i64: 2, 16>, scalar_prefetch = 0 : i64, scratch_operands = 4 : i64, tpu.core_type = #tpu.core_type<sc_vector_subcore>, window_params = [{transform_indices = #map}, {transform_indices = #map1}, {transform_indices = #map1}, {transform_indices = #map2}]} {
    "tpu.region"() ({
      %run_scoped3A = tpu.sem_alloc : memref<!tpu.dma_semaphore, #tpu.memory_space<semaphore_mem>>
      %dma_start3A = arith.constant 0 : i32
      %dma_start3A_36 = arith.constant 0 : i32
      %dma_start3A_37 = tpu.memref_slice %arg3[%arg0, %arg1, %dma_start3A, %dma_start3A_36] : memref<2x16x81x128xi32, #tpu.memory_space<hbm>> -> memref<1x1x81x128xi32, #tpu.memory_space<hbm>>
      %dma_start3A_38 = tpu.memref_squeeze %dma_start3A_37 : memref<1x1x81x128xi32, #tpu.memory_space<hbm>> -> memref<81x128xi32, #tpu.memory_space<hbm>>
      %dma_start3A_39 = arith.constant 0 : i32
      %dma_start3A_40 = arith.constant 0 : i32
      %dma_start3A_41 = tpu.memref_slice %arg3[%arg0, %arg1, %dma_start3A_39, %dma_start3A_40] : memref<2x16x81x128xi32, #tpu.memory_space<hbm>> -> memref<1x1x81x128xi32, #tpu.memory_space<hbm>>
      %dma_start3A_42 = tpu.memref_squeeze %dma_start3A_41 : memref<1x1x81x128xi32, #tpu.memory_space<hbm>> -> memref<81x128xi32, #tpu.memory_space<hbm>>
      tpu.enqueue_dma source(%dma_start3A_42 : memref<81x128xi32, #tpu.memory_space<hbm>>) target(%arg6 : memref<81x128xi32, #tpu.memory_space<vmem>>) target_semaphore(%run_scoped3A : memref<!tpu.dma_semaphore, #tpu.memory_space<semaphore_mem>>)
      %dma_wait3A = arith.constant 0 : i32
      %dma_wait3A_43 = arith.constant 0 : i32
      %dma_wait3A_44 = tpu.memref_slice %arg3[%arg0, %arg1, %dma_wait3A, %dma_wait3A_43] : memref<2x16x81x128xi32, #tpu.memory_space<hbm>> -> memref<1x1x81x128xi32, #tpu.memory_space<hbm>>
      %dma_wait3A_45 = tpu.memref_squeeze %dma_wait3A_44 : memref<1x1x81x128xi32, #tpu.memory_space<hbm>> -> memref<81x128xi32, #tpu.memory_space<hbm>>
      %dma_wait3A_46 = arith.constant 0 : i32
      %dma_wait3A_47 = arith.constant 0 : i32
      %dma_wait3A_48 = tpu.memref_slice %arg3[%arg0, %arg1, %dma_wait3A_46, %dma_wait3A_47] : memref<2x16x81x128xi32, #tpu.memory_space<hbm>> -> memref<1x1x81x128xi32, #tpu.memory_space<hbm>>
      %dma_wait3A_49 = tpu.memref_squeeze %dma_wait3A_48 : memref<1x1x81x128xi32, #tpu.memory_space<hbm>> -> memref<81x128xi32, #tpu.memory_space<hbm>>
      tpu.wait_dma2 semaphore(%run_scoped3A : memref<!tpu.dma_semaphore, #tpu.memory_space<semaphore_mem>>) src(%dma_wait3A_49 : memref<81x128xi32, #tpu.memory_space<hbm>>) dst(%arg6 : memref<81x128xi32, #tpu.memory_space<vmem>>)
      tpu.yield
    }) : () -> ()
    "tpu.region"() ({
      %run_scoped3A = tpu.sem_alloc : memref<!tpu.dma_semaphore, #tpu.memory_space<semaphore_mem>>
      %dma_start3A = arith.constant 0 : i32
      %dma_start3A_36 = arith.constant 0 : i32
      %dma_start3A_37 = tpu.memref_slice %arg4[%arg0, %arg1, %dma_start3A, %dma_start3A_36] : memref<2x16x81x128xi32, #tpu.memory_space<hbm>> -> memref<1x1x81x128xi32, #tpu.memory_space<hbm>>
      %dma_start3A_38 = tpu.memref_squeeze %dma_start3A_37 : memref<1x1x81x128xi32, #tpu.memory_space<hbm>> -> memref<81x128xi32, #tpu.memory_space<hbm>>
      %dma_start3A_39 = arith.constant 0 : i32
      %dma_start3A_40 = arith.constant 0 : i32
      %dma_start3A_41 = tpu.memref_slice %arg4[%arg0, %arg1, %dma_start3A_39, %dma_start3A_40] : memref<2x16x81x128xi32, #tpu.memory_space<hbm>> -> memref<1x1x81x128xi32, #tpu.memory_space<hbm>>
      %dma_start3A_42 = tpu.memref_squeeze %dma_start3A_41 : memref<1x1x81x128xi32, #tpu.memory_space<hbm>> -> memref<81x128xi32, #tpu.memory_space<hbm>>
      tpu.enqueue_dma source(%dma_start3A_42 : memref<81x128xi32, #tpu.memory_space<hbm>>) target(%arg7 : memref<81x128xi32, #tpu.memory_space<vmem>>) target_semaphore(%run_scoped3A : memref<!tpu.dma_semaphore, #tpu.memory_space<semaphore_mem>>)
      %dma_wait3A = arith.constant 0 : i32
      %dma_wait3A_43 = arith.constant 0 : i32
      %dma_wait3A_44 = tpu.memref_slice %arg4[%arg0, %arg1, %dma_wait3A, %dma_wait3A_43] : memref<2x16x81x128xi32, #tpu.memory_space<hbm>> -> memref<1x1x81x128xi32, #tpu.memory_space<hbm>>
      %dma_wait3A_45 = tpu.memref_squeeze %dma_wait3A_44 : memref<1x1x81x128xi32, #tpu.memory_space<hbm>> -> memref<81x128xi32, #tpu.memory_space<hbm>>
      %dma_wait3A_46 = arith.constant 0 : i32
      %dma_wait3A_47 = arith.constant 0 : i32
      %dma_wait3A_48 = tpu.memref_slice %arg4[%arg0, %arg1, %dma_wait3A_46, %dma_wait3A_47] : memref<2x16x81x128xi32, #tpu.memory_space<hbm>> -> memref<1x1x81x128xi32, #tpu.memory_space<hbm>>
      %dma_wait3A_49 = tpu.memref_squeeze %dma_wait3A_48 : memref<1x1x81x128xi32, #tpu.memory_space<hbm>> -> memref<81x128xi32, #tpu.memory_space<hbm>>
      tpu.wait_dma2 semaphore(%run_scoped3A : memref<!tpu.dma_semaphore, #tpu.memory_space<semaphore_mem>>) src(%dma_wait3A_49 : memref<81x128xi32, #tpu.memory_space<hbm>>) dst(%arg7 : memref<81x128xi32, #tpu.memory_space<vmem>>)
      tpu.yield
    }) : () -> ()
    %broadcast_in_dim3A = arith.constant 0.000000e+00 : f32
    %broadcast_in_dim3A_0 = vector.broadcast %broadcast_in_dim3A : f32 to vector<16xf32>
    %scan3A = arith.constant 0 : i32
    %scan3A_1 = arith.constant 128 : i32
    %scan3A_2 = arith.addi %scan3A, %scan3A_1 : i32
    %scan3A_3 = arith.constant 1 : i32
    scf.for %scan3A_36 = %scan3A to %scan3A_2 step %scan3A_3  : i32 {
      %swap3A = arith.index_cast %scan3A_36 : i32 to index
      %swap3A_37 = arith.constant 0 : index
      %swap3A_38 = tpu.vector_load %arg8[%swap3A, %swap3A_37] {strides = array<i32>} : memref<128x128xf32, #tpu.memory_space<vmem>>, vector<16xf32>,
      tpu.vector_store %arg8[%swap3A, %swap3A_37], %broadcast_in_dim3A_0 {strides = array<i32>} : memref<128x128xf32, #tpu.memory_space<vmem>>, vector<16xf32>,
      %swap3A_39 = arith.index_cast %scan3A_36 : i32 to index
      %swap3A_40 = arith.constant 16 : index
      %swap3A_41 = tpu.vector_load %arg8[%swap3A_39, %swap3A_40] {strides = array<i32>} : memref<128x128xf32, #tpu.memory_space<vmem>>, vector<16xf32>,
      tpu.vector_store %arg8[%swap3A_39, %swap3A_40], %broadcast_in_dim3A_0 {strides = array<i32>} : memref<128x128xf32, #tpu.memory_space<vmem>>, vector<16xf32>,
      %swap3A_42 = arith.index_cast %scan3A_36 : i32 to index
      %swap3A_43 = arith.constant 32 : index
      %swap3A_44 = tpu.vector_load %arg8[%swap3A_42, %swap3A_43] {strides = array<i32>} : memref<128x128xf32, #tpu.memory_space<vmem>>, vector<16xf32>,
      tpu.vector_store %arg8[%swap3A_42, %swap3A_43], %broadcast_in_dim3A_0 {strides = array<i32>} : memref<128x128xf32, #tpu.memory_space<vmem>>, vector<16xf32>,
      %swap3A_45 = arith.index_cast %scan3A_36 : i32 to index
      %swap3A_46 = arith.constant 48 : index
      %swap3A_47 = tpu.vector_load %arg8[%swap3A_45, %swap3A_46] {strides = array<i32>} : memref<128x128xf32, #tpu.memory_space<vmem>>, vector<16xf32>,
      tpu.vector_store %arg8[%swap3A_45, %swap3A_46], %broadcast_in_dim3A_0 {strides = array<i32>} : memref<128x128xf32, #tpu.memory_space<vmem>>, vector<16xf32>,
      %swap3A_48 = arith.index_cast %scan3A_36 : i32 to index
      %swap3A_49 = arith.constant 64 : index
      %swap3A_50 = tpu.vector_load %arg8[%swap3A_48, %swap3A_49] {strides = array<i32>} : memref<128x128xf32, #tpu.memory_space<vmem>>, vector<16xf32>,
      tpu.vector_store %arg8[%swap3A_48, %swap3A_49], %broadcast_in_dim3A_0 {strides = array<i32>} : memref<128x128xf32, #tpu.memory_space<vmem>>, vector<16xf32>,
      %swap3A_51 = arith.index_cast %scan3A_36 : i32 to index
      %swap3A_52 = arith.constant 80 : index
      %swap3A_53 = tpu.vector_load %arg8[%swap3A_51, %swap3A_52] {strides = array<i32>} : memref<128x128xf32, #tpu.memory_space<vmem>>, vector<16xf32>,
      tpu.vector_store %arg8[%swap3A_51, %swap3A_52], %broadcast_in_dim3A_0 {strides = array<i32>} : memref<128x128xf32, #tpu.memory_space<vmem>>, vector<16xf32>,
      %swap3A_54 = arith.index_cast %scan3A_36 : i32 to index
      %swap3A_55 = arith.constant 96 : index
      %swap3A_56 = tpu.vector_load %arg8[%swap3A_54, %swap3A_55] {strides = array<i32>} : memref<128x128xf32, #tpu.memory_space<vmem>>, vector<16xf32>,
      tpu.vector_store %arg8[%swap3A_54, %swap3A_55], %broadcast_in_dim3A_0 {strides = array<i32>} : memref<128x128xf32, #tpu.memory_space<vmem>>, vector<16xf32>,
      %swap3A_57 = arith.index_cast %scan3A_36 : i32 to index
      %swap3A_58 = arith.constant 112 : index
      %swap3A_59 = tpu.vector_load %arg8[%swap3A_57, %swap3A_58] {strides = array<i32>} : memref<128x128xf32, #tpu.memory_space<vmem>>, vector<16xf32>,
      tpu.vector_store %arg8[%swap3A_57, %swap3A_58], %broadcast_in_dim3A_0 {strides = array<i32>} : memref<128x128xf32, #tpu.memory_space<vmem>>, vector<16xf32>,
    }
    %scan3A_4 = arith.constant 128 : i32
    %mul3A = arith.constant 640 : i32
    %mul3A_5 = arith.muli %arg1, %mul3A : i32
    %add3A = arith.constant 0 : i32
    %add3A_6 = arith.addi %mul3A_5, %add3A : i32
    "tpu.region"() ({
      %run_scoped3A = tpu.sem_alloc : memref<!tpu.dma_semaphore, #tpu.memory_space<semaphore_mem>>
      %dma_start3A = arith.constant 0 : i32
      %dma_start3A_36 = arith.constant 0 : i32
      %dma_start3A_37 = tpu.memref_slice %arg8[%dma_start3A, %dma_start3A_36] : memref<128x128xf32, #tpu.memory_space<vmem>> -> memref<128x128xf32, #tpu.memory_space<vmem>>
      %dma_start3A_38 = arith.constant 0 : i32
      %dma_start3A_39 = tpu.memref_slice %arg9[%add3A_6, %dma_start3A_38] : memref<10240x128xf32, #tpu.memory_space<vmem_shared>> -> memref<128x128xf32, #tpu.memory_space<vmem_shared>>
      %dma_start3A_40 = arith.constant 0 : i32
      %dma_start3A_41 = tpu.memref_slice %arg9[%add3A_6, %dma_start3A_40] : memref<10240x128xf32, #tpu.memory_space<vmem_shared>> -> memref<128x128xf32, #tpu.memory_space<vmem_shared>>
      %dma_start3A_42 = arith.constant 0 : i32
      %dma_start3A_43 = arith.constant 0 : i32
      %dma_start3A_44 = tpu.memref_slice %arg8[%dma_start3A_42, %dma_start3A_43] : memref<128x128xf32, #tpu.memory_space<vmem>> -> memref<128x128xf32, #tpu.memory_space<vmem>>
      tpu.enqueue_dma source(%dma_start3A_44 : memref<128x128xf32, #tpu.memory_space<vmem>>) target(%dma_start3A_41 : memref<128x128xf32, #tpu.memory_space<vmem_shared>>) target_semaphore(%run_scoped3A : memref<!tpu.dma_semaphore, #tpu.memory_space<semaphore_mem>>)
      %dma_wait3A = arith.constant 0 : i32
      %dma_wait3A_45 = arith.constant 0 : i32
      %dma_wait3A_46 = tpu.memref_slice %arg8[%dma_wait3A, %dma_wait3A_45] : memref<128x128xf32, #tpu.memory_space<vmem>> -> memref<128x128xf32, #tpu.memory_space<vmem>>
      %dma_wait3A_47 = arith.constant 0 : i32
      %dma_wait3A_48 = tpu.memref_slice %arg9[%add3A_6, %dma_wait3A_47] : memref<10240x128xf32, #tpu.memory_space<vmem_shared>> -> memref<128x128xf32, #tpu.memory_space<vmem_shared>>
      %dma_wait3A_49 = arith.constant 0 : i32
      %dma_wait3A_50 = tpu.memref_slice %arg9[%add3A_6, %dma_wait3A_49] : memref<10240x128xf32, #tpu.memory_space<vmem_shared>> -> memref<128x128xf32, #tpu.memory_space<vmem_shared>>
      %dma_wait3A_51 = arith.constant 0 : i32
      %dma_wait3A_52 = arith.constant 0 : i32
      %dma_wait3A_53 = tpu.memref_slice %arg8[%dma_wait3A_51, %dma_wait3A_52] : memref<128x128xf32, #tpu.memory_space<vmem>> -> memref<128x128xf32, #tpu.memory_space<vmem>>
      tpu.wait_dma2 semaphore(%run_scoped3A : memref<!tpu.dma_semaphore, #tpu.memory_space<semaphore_mem>>) src(%dma_wait3A_53 : memref<128x128xf32, #tpu.memory_space<vmem>>) dst(%dma_wait3A_50 : memref<128x128xf32, #tpu.memory_space<vmem_shared>>)
      tpu.yield
    }) : () -> ()
    %add3A_7 = arith.constant 128 : i32
    %add3A_8 = arith.addi %mul3A_5, %add3A_7 : i32
    "tpu.region"() ({
      %run_scoped3A = tpu.sem_alloc : memref<!tpu.dma_semaphore, #tpu.memory_space<semaphore_mem>>
      %dma_start3A = arith.constant 0 : i32
      %dma_start3A_36 = arith.constant 0 : i32
      %dma_start3A_37 = tpu.memref_slice %arg8[%dma_start3A, %dma_start3A_36] : memref<128x128xf32, #tpu.memory_space<vmem>> -> memref<128x128xf32, #tpu.memory_space<vmem>>
      %dma_start3A_38 = arith.constant 0 : i32
      %dma_start3A_39 = tpu.memref_slice %arg9[%add3A_8, %dma_start3A_38] : memref<10240x128xf32, #tpu.memory_space<vmem_shared>> -> memref<128x128xf32, #tpu.memory_space<vmem_shared>>
      %dma_start3A_40 = arith.constant 0 : i32
      %dma_start3A_41 = tpu.memref_slice %arg9[%add3A_8, %dma_start3A_40] : memref<10240x128xf32, #tpu.memory_space<vmem_shared>> -> memref<128x128xf32, #tpu.memory_space<vmem_shared>>
      %dma_start3A_42 = arith.constant 0 : i32
      %dma_start3A_43 = arith.constant 0 : i32
      %dma_start3A_44 = tpu.memref_slice %arg8[%dma_start3A_42, %dma_start3A_43] : memref<128x128xf32, #tpu.memory_space<vmem>> -> memref<128x128xf32, #tpu.memory_space<vmem>>
      tpu.enqueue_dma source(%dma_start3A_44 : memref<128x128xf32, #tpu.memory_space<vmem>>) target(%dma_start3A_41 : memref<128x128xf32, #tpu.memory_space<vmem_shared>>) target_semaphore(%run_scoped3A : memref<!tpu.dma_semaphore, #tpu.memory_space<semaphore_mem>>)
      %dma_wait3A = arith.constant 0 : i32
      %dma_wait3A_45 = arith.constant 0 : i32
      %dma_wait3A_46 = tpu.memref_slice %arg8[%dma_wait3A, %dma_wait3A_45] : memref<128x128xf32, #tpu.memory_space<vmem>> -> memref<128x128xf32, #tpu.memory_space<vmem>>
      %dma_wait3A_47 = arith.constant 0 : i32
      %dma_wait3A_48 = tpu.memref_slice %arg9[%add3A_8, %dma_wait3A_47] : memref<10240x128xf32, #tpu.memory_space<vmem_shared>> -> memref<128x128xf32, #tpu.memory_space<vmem_shared>>
      %dma_wait3A_49 = arith.constant 0 : i32
      %dma_wait3A_50 = tpu.memref_slice %arg9[%add3A_8, %dma_wait3A_49] : memref<10240x128xf32, #tpu.memory_space<vmem_shared>> -> memref<128x128xf32, #tpu.memory_space<vmem_shared>>
      %dma_wait3A_51 = arith.constant 0 : i32
      %dma_wait3A_52 = arith.constant 0 : i32
      %dma_wait3A_53 = tpu.memref_slice %arg8[%dma_wait3A_51, %dma_wait3A_52] : memref<128x128xf32, #tpu.memory_space<vmem>> -> memref<128x128xf32, #tpu.memory_space<vmem>>
      tpu.wait_dma2 semaphore(%run_scoped3A : memref<!tpu.dma_semaphore, #tpu.memory_space<semaphore_mem>>) src(%dma_wait3A_53 : memref<128x128xf32, #tpu.memory_space<vmem>>) dst(%dma_wait3A_50 : memref<128x128xf32, #tpu.memory_space<vmem_shared>>)
      tpu.yield
    }) : () -> ()
    %add3A_9 = arith.constant 256 : i32
    %add3A_10 = arith.addi %mul3A_5, %add3A_9 : i32
    "tpu.region"() ({
      %run_scoped3A = tpu.sem_alloc : memref<!tpu.dma_semaphore, #tpu.memory_space<semaphore_mem>>
      %dma_start3A = arith.constant 0 : i32
      %dma_start3A_36 = arith.constant 0 : i32
      %dma_start3A_37 = tpu.memref_slice %arg8[%dma_start3A, %dma_start3A_36] : memref<128x128xf32, #tpu.memory_space<vmem>> -> memref<128x128xf32, #tpu.memory_space<vmem>>
      %dma_start3A_38 = arith.constant 0 : i32
      %dma_start3A_39 = tpu.memref_slice %arg9[%add3A_10, %dma_start3A_38] : memref<10240x128xf32, #tpu.memory_space<vmem_shared>> -> memref<128x128xf32, #tpu.memory_space<vmem_shared>>
      %dma_start3A_40 = arith.constant 0 : i32
      %dma_start3A_41 = tpu.memref_slice %arg9[%add3A_10, %dma_start3A_40] : memref<10240x128xf32, #tpu.memory_space<vmem_shared>> -> memref<128x128xf32, #tpu.memory_space<vmem_shared>>
      %dma_start3A_42 = arith.constant 0 : i32
      %dma_start3A_43 = arith.constant 0 : i32
      %dma_start3A_44 = tpu.memref_slice %arg8[%dma_start3A_42, %dma_start3A_43] : memref<128x128xf32, #tpu.memory_space<vmem>> -> memref<128x128xf32, #tpu.memory_space<vmem>>
      tpu.enqueue_dma source(%dma_start3A_44 : memref<128x128xf32, #tpu.memory_space<vmem>>) target(%dma_start3A_41 : memref<128x128xf32, #tpu.memory_space<vmem_shared>>) target_semaphore(%run_scoped3A : memref<!tpu.dma_semaphore, #tpu.memory_space<semaphore_mem>>)
      %dma_wait3A = arith.constant 0 : i32
      %dma_wait3A_45 = arith.constant 0 : i32
      %dma_wait3A_46 = tpu.memref_slice %arg8[%dma_wait3A, %dma_wait3A_45] : memref<128x128xf32, #tpu.memory_space<vmem>> -> memref<128x128xf32, #tpu.memory_space<vmem>>
      %dma_wait3A_47 = arith.constant 0 : i32
      %dma_wait3A_48 = tpu.memref_slice %arg9[%add3A_10, %dma_wait3A_47] : memref<10240x128xf32, #tpu.memory_space<vmem_shared>> -> memref<128x128xf32, #tpu.memory_space<vmem_shared>>
      %dma_wait3A_49 = arith.constant 0 : i32
      %dma_wait3A_50 = tpu.memref_slice %arg9[%add3A_10, %dma_wait3A_49] : memref<10240x128xf32, #tpu.memory_space<vmem_shared>> -> memref<128x128xf32, #tpu.memory_space<vmem_shared>>
      %dma_wait3A_51 = arith.constant 0 : i32
      %dma_wait3A_52 = arith.constant 0 : i32
      %dma_wait3A_53 = tpu.memref_slice %arg8[%dma_wait3A_51, %dma_wait3A_52] : memref<128x128xf32, #tpu.memory_space<vmem>> -> memref<128x128xf32, #tpu.memory_space<vmem>>
      tpu.wait_dma2 semaphore(%run_scoped3A : memref<!tpu.dma_semaphore, #tpu.memory_space<semaphore_mem>>) src(%dma_wait3A_53 : memref<128x128xf32, #tpu.memory_space<vmem>>) dst(%dma_wait3A_50 : memref<128x128xf32, #tpu.memory_space<vmem_shared>>)
      tpu.yield
    }) : () -> ()
    %add3A_11 = arith.constant 384 : i32
    %add3A_12 = arith.addi %mul3A_5, %add3A_11 : i32
    "tpu.region"() ({
      %run_scoped3A = tpu.sem_alloc : memref<!tpu.dma_semaphore, #tpu.memory_space<semaphore_mem>>
      %dma_start3A = arith.constant 0 : i32
      %dma_start3A_36 = arith.constant 0 : i32
      %dma_start3A_37 = tpu.memref_slice %arg8[%dma_start3A, %dma_start3A_36] : memref<128x128xf32, #tpu.memory_space<vmem>> -> memref<128x128xf32, #tpu.memory_space<vmem>>
      %dma_start3A_38 = arith.constant 0 : i32
      %dma_start3A_39 = tpu.memref_slice %arg9[%add3A_12, %dma_start3A_38] : memref<10240x128xf32, #tpu.memory_space<vmem_shared>> -> memref<128x128xf32, #tpu.memory_space<vmem_shared>>
      %dma_start3A_40 = arith.constant 0 : i32
      %dma_start3A_41 = tpu.memref_slice %arg9[%add3A_12, %dma_start3A_40] : memref<10240x128xf32, #tpu.memory_space<vmem_shared>> -> memref<128x128xf32, #tpu.memory_space<vmem_shared>>
      %dma_start3A_42 = arith.constant 0 : i32
      %dma_start3A_43 = arith.constant 0 : i32
      %dma_start3A_44 = tpu.memref_slice %arg8[%dma_start3A_42, %dma_start3A_43] : memref<128x128xf32, #tpu.memory_space<vmem>> -> memref<128x128xf32, #tpu.memory_space<vmem>>
      tpu.enqueue_dma source(%dma_start3A_44 : memref<128x128xf32, #tpu.memory_space<vmem>>) target(%dma_start3A_41 : memref<128x128xf32, #tpu.memory_space<vmem_shared>>) target_semaphore(%run_scoped3A : memref<!tpu.dma_semaphore, #tpu.memory_space<semaphore_mem>>)
      %dma_wait3A = arith.constant 0 : i32
      %dma_wait3A_45 = arith.constant 0 : i32
      %dma_wait3A_46 = tpu.memref_slice %arg8[%dma_wait3A, %dma_wait3A_45] : memref<128x128xf32, #tpu.memory_space<vmem>> -> memref<128x128xf32, #tpu.memory_space<vmem>>
      %dma_wait3A_47 = arith.constant 0 : i32
      %dma_wait3A_48 = tpu.memref_slice %arg9[%add3A_12, %dma_wait3A_47] : memref<10240x128xf32, #tpu.memory_space<vmem_shared>> -> memref<128x128xf32, #tpu.memory_space<vmem_shared>>
      %dma_wait3A_49 = arith.constant 0 : i32
      %dma_wait3A_50 = tpu.memref_slice %arg9[%add3A_12, %dma_wait3A_49] : memref<10240x128xf32, #tpu.memory_space<vmem_shared>> -> memref<128x128xf32, #tpu.memory_space<vmem_shared>>
      %dma_wait3A_51 = arith.constant 0 : i32
      %dma_wait3A_52 = arith.constant 0 : i32
      %dma_wait3A_53 = tpu.memref_slice %arg8[%dma_wait3A_51, %dma_wait3A_52] : memref<128x128xf32, #tpu.memory_space<vmem>> -> memref<128x128xf32, #tpu.memory_space<vmem>>
      tpu.wait_dma2 semaphore(%run_scoped3A : memref<!tpu.dma_semaphore, #tpu.memory_space<semaphore_mem>>) src(%dma_wait3A_53 : memref<128x128xf32, #tpu.memory_space<vmem>>) dst(%dma_wait3A_50 : memref<128x128xf32, #tpu.memory_space<vmem_shared>>)
      tpu.yield
    }) : () -> ()
    %add3A_13 = arith.constant 512 : i32
    %add3A_14 = arith.addi %mul3A_5, %add3A_13 : i32
    "tpu.region"() ({
      %run_scoped3A = tpu.sem_alloc : memref<!tpu.dma_semaphore, #tpu.memory_space<semaphore_mem>>
      %dma_start3A = arith.constant 0 : i32
      %dma_start3A_36 = arith.constant 0 : i32
      %dma_start3A_37 = tpu.memref_slice %arg8[%dma_start3A, %dma_start3A_36] : memref<128x128xf32, #tpu.memory_space<vmem>> -> memref<128x128xf32, #tpu.memory_space<vmem>>
      %dma_start3A_38 = arith.constant 0 : i32
      %dma_start3A_39 = tpu.memref_slice %arg9[%add3A_14, %dma_start3A_38] : memref<10240x128xf32, #tpu.memory_space<vmem_shared>> -> memref<128x128xf32, #tpu.memory_space<vmem_shared>>
      %dma_start3A_40 = arith.constant 0 : i32
      %dma_start3A_41 = tpu.memref_slice %arg9[%add3A_14, %dma_start3A_40] : memref<10240x128xf32, #tpu.memory_space<vmem_shared>> -> memref<128x128xf32, #tpu.memory_space<vmem_shared>>
      %dma_start3A_42 = arith.constant 0 : i32
      %dma_start3A_43 = arith.constant 0 : i32
      %dma_start3A_44 = tpu.memref_slice %arg8[%dma_start3A_42, %dma_start3A_43] : memref<128x128xf32, #tpu.memory_space<vmem>> -> memref<128x128xf32, #tpu.memory_space<vmem>>
      tpu.enqueue_dma source(%dma_start3A_44 : memref<128x128xf32, #tpu.memory_space<vmem>>) target(%dma_start3A_41 : memref<128x128xf32, #tpu.memory_space<vmem_shared>>) target_semaphore(%run_scoped3A : memref<!tpu.dma_semaphore, #tpu.memory_space<semaphore_mem>>)
      %dma_wait3A = arith.constant 0 : i32
      %dma_wait3A_45 = arith.constant 0 : i32
      %dma_wait3A_46 = tpu.memref_slice %arg8[%dma_wait3A, %dma_wait3A_45] : memref<128x128xf32, #tpu.memory_space<vmem>> -> memref<128x128xf32, #tpu.memory_space<vmem>>
      %dma_wait3A_47 = arith.constant 0 : i32
      %dma_wait3A_48 = tpu.memref_slice %arg9[%add3A_14, %dma_wait3A_47] : memref<10240x128xf32, #tpu.memory_space<vmem_shared>> -> memref<128x128xf32, #tpu.memory_space<vmem_shared>>
      %dma_wait3A_49 = arith.constant 0 : i32
      %dma_wait3A_50 = tpu.memref_slice %arg9[%add3A_14, %dma_wait3A_49] : memref<10240x128xf32, #tpu.memory_space<vmem_shared>> -> memref<128x128xf32, #tpu.memory_space<vmem_shared>>
      %dma_wait3A_51 = arith.constant 0 : i32
      %dma_wait3A_52 = arith.constant 0 : i32
      %dma_wait3A_53 = tpu.memref_slice %arg8[%dma_wait3A_51, %dma_wait3A_52] : memref<128x128xf32, #tpu.memory_space<vmem>> -> memref<128x128xf32, #tpu.memory_space<vmem>>
      tpu.wait_dma2 semaphore(%run_scoped3A : memref<!tpu.dma_semaphore, #tpu.memory_space<semaphore_mem>>) src(%dma_wait3A_53 : memref<128x128xf32, #tpu.memory_space<vmem>>) dst(%dma_wait3A_50 : memref<128x128xf32, #tpu.memory_space<vmem_shared>>)
      tpu.yield
    }) : () -> ()
    %barrier3A = arith.constant 0 : index
    tpu.barrier barrier_id(%barrier3A)
    %eq3A = arith.constant 0 : i32
    %eq3A_15 = arith.cmpi eq, %arg0, %eq3A : i32
    %jit3A = arith.constant 76 : i32
    %jit3A_16 = arith.constant 81 : i32
    %select_n3A = arith.select %eq3A_15, %jit3A, %jit3A_16 : i32
    %while3A = arith.constant 0 : i32
    %while3A_17 = arith.subi %select_n3A, %while3A : i32
    %while3A_18 = arith.addi %while3A, %while3A_17 : i32
    %while3A_19 = arith.constant 1 : i32
    %while3A_20 = arith.divsi %while3A_17, %while3A_19 : i32
    %while3A_21 = arith.muli %while3A_20, %while3A_19 : i32
    %while3A_22 = arith.addi %while3A, %while3A_21 : i32
    %while3A_23 = arith.constant 1 : i32
    scf.for %while3A_36 = %while3A to %while3A_22 step %while3A_23  : i32 {
      "tpu.region"() ({
        %run_scoped3A = tpu.sem_alloc : memref<!tpu.dma_semaphore, #tpu.memory_space<semaphore_mem>>
        %dma_start3A = arith.constant 0 : i32
        %dma_start3A_37 = tpu.memref_slice %arg6[%while3A_36, %dma_start3A] : memref<81x128xi32, #tpu.memory_space<vmem>> -> memref<1x128xi32, #tpu.memory_space<vmem>>
        %dma_start3A_38 = tpu.memref_squeeze %dma_start3A_37 : memref<1x128xi32, #tpu.memory_space<vmem>> -> memref<128xi32, #tpu.memory_space<vmem>>
        %dma_start3A_39 = arith.constant 0 : i32
        %dma_start3A_40 = arith.constant 0 : i32
        %dma_start3A_41 = tpu.memref_slice %arg2[%dma_start3A_39, %dma_start3A_40] : memref<10240x128xf32, #tpu.memory_space<hbm>> -> memref<10240x128xf32, #tpu.memory_space<hbm>>
        tpu.enqueue_indirect_dma source(%dma_start3A_41 : memref<10240x128xf32, #tpu.memory_space<hbm>>) target(%arg8 : memref<128x128xf32, #tpu.memory_space<vmem>>) offsets(%dma_start3A_38 : memref<128xi32, #tpu.memory_space<vmem>>) semaphore(%run_scoped3A : memref<!tpu.dma_semaphore, #tpu.memory_space<semaphore_mem>>)
        %dma_wait3A = arith.constant 0 : i32
        %dma_wait3A_42 = tpu.memref_slice %arg6[%while3A_36, %dma_wait3A] : memref<81x128xi32, #tpu.memory_space<vmem>> -> memref<1x128xi32, #tpu.memory_space<vmem>>
        %dma_wait3A_43 = tpu.memref_squeeze %dma_wait3A_42 : memref<1x128xi32, #tpu.memory_space<vmem>> -> memref<128xi32, #tpu.memory_space<vmem>>
        %dma_wait3A_44 = arith.constant 0 : i32
        %dma_wait3A_45 = arith.constant 0 : i32
        %dma_wait3A_46 = tpu.memref_slice %arg2[%dma_wait3A_44, %dma_wait3A_45] : memref<10240x128xf32, #tpu.memory_space<hbm>> -> memref<10240x128xf32, #tpu.memory_space<hbm>>
        tpu.wait_indirect_dma semaphore(%run_scoped3A : memref<!tpu.dma_semaphore, #tpu.memory_space<semaphore_mem>>) src(%dma_wait3A_46 : memref<10240x128xf32, #tpu.memory_space<hbm>>) dst(%arg8 : memref<128x128xf32, #tpu.memory_space<vmem>>)
        tpu.yield
      }) : () -> ()
      "tpu.region"() ({
        %run_scoped3A = tpu.sem_alloc : memref<!tpu.dma_semaphore, #tpu.memory_space<semaphore_mem>>
        %dma_start3A = arith.constant 0 : i32
        %dma_start3A_37 = tpu.memref_slice %arg7[%while3A_36, %dma_start3A] : memref<81x128xi32, #tpu.memory_space<vmem>> -> memref<1x128xi32, #tpu.memory_space<vmem>>
        %dma_start3A_38 = tpu.memref_squeeze %dma_start3A_37 : memref<1x128xi32, #tpu.memory_space<vmem>> -> memref<128xi32, #tpu.memory_space<vmem>>
        %dma_start3A_39 = arith.constant 0 : i32
        %dma_start3A_40 = arith.constant 0 : i32
        %dma_start3A_41 = tpu.memref_slice %arg9[%dma_start3A_39, %dma_start3A_40] : memref<10240x128xf32, #tpu.memory_space<vmem_shared>> -> memref<10240x128xf32, #tpu.memory_space<vmem_shared>>
        tpu.enqueue_indirect_dma source(%arg8 : memref<128x128xf32, #tpu.memory_space<vmem>>) target(%dma_start3A_41 : memref<10240x128xf32, #tpu.memory_space<vmem_shared>>) offsets(%dma_start3A_38 : memref<128xi32, #tpu.memory_space<vmem>>) semaphore(%run_scoped3A : memref<!tpu.dma_semaphore, #tpu.memory_space<semaphore_mem>>) {add = true}
        %dma_wait3A = arith.constant 0 : i32
        %dma_wait3A_42 = tpu.memref_slice %arg7[%while3A_36, %dma_wait3A] : memref<81x128xi32, #tpu.memory_space<vmem>> -> memref<1x128xi32, #tpu.memory_space<vmem>>
        %dma_wait3A_43 = tpu.memref_squeeze %dma_wait3A_42 : memref<1x128xi32, #tpu.memory_space<vmem>> -> memref<128xi32, #tpu.memory_space<vmem>>
        %dma_wait3A_44 = arith.constant 0 : i32
        %dma_wait3A_45 = arith.constant 0 : i32
        %dma_wait3A_46 = tpu.memref_slice %arg9[%dma_wait3A_44, %dma_wait3A_45] : memref<10240x128xf32, #tpu.memory_space<vmem_shared>> -> memref<10240x128xf32, #tpu.memory_space<vmem_shared>>
        tpu.wait_indirect_dma semaphore(%run_scoped3A : memref<!tpu.dma_semaphore, #tpu.memory_space<semaphore_mem>>) src(%arg8 : memref<128x128xf32, #tpu.memory_space<vmem>>) dst(%dma_wait3A_46 : memref<10240x128xf32, #tpu.memory_space<vmem_shared>>)
        tpu.yield
      }) : () -> ()
    }
    %while3A_24 = arith.constant 1 : i32
    scf.for %while3A_36 = %while3A_22 to %while3A_18 step %while3A_24  : i32 {
      "tpu.region"() ({
        %run_scoped3A = tpu.sem_alloc : memref<!tpu.dma_semaphore, #tpu.memory_space<semaphore_mem>>
        %dma_start3A = arith.constant 0 : i32
        %dma_start3A_37 = tpu.memref_slice %arg6[%while3A_36, %dma_start3A] : memref<81x128xi32, #tpu.memory_space<vmem>> -> memref<1x128xi32, #tpu.memory_space<vmem>>
        %dma_start3A_38 = tpu.memref_squeeze %dma_start3A_37 : memref<1x128xi32, #tpu.memory_space<vmem>> -> memref<128xi32, #tpu.memory_space<vmem>>
        %dma_start3A_39 = arith.constant 0 : i32
        %dma_start3A_40 = arith.constant 0 : i32
        %dma_start3A_41 = tpu.memref_slice %arg2[%dma_start3A_39, %dma_start3A_40] : memref<10240x128xf32, #tpu.memory_space<hbm>> -> memref<10240x128xf32, #tpu.memory_space<hbm>>
        tpu.enqueue_indirect_dma source(%dma_start3A_41 : memref<10240x128xf32, #tpu.memory_space<hbm>>) target(%arg8 : memref<128x128xf32, #tpu.memory_space<vmem>>) offsets(%dma_start3A_38 : memref<128xi32, #tpu.memory_space<vmem>>) semaphore(%run_scoped3A : memref<!tpu.dma_semaphore, #tpu.memory_space<semaphore_mem>>)
        %dma_wait3A = arith.constant 0 : i32
        %dma_wait3A_42 = tpu.memref_slice %arg6[%while3A_36, %dma_wait3A] : memref<81x128xi32, #tpu.memory_space<vmem>> -> memref<1x128xi32, #tpu.memory_space<vmem>>
        %dma_wait3A_43 = tpu.memref_squeeze %dma_wait3A_42 : memref<1x128xi32, #tpu.memory_space<vmem>> -> memref<128xi32, #tpu.memory_space<vmem>>
        %dma_wait3A_44 = arith.constant 0 : i32
        %dma_wait3A_45 = arith.constant 0 : i32
        %dma_wait3A_46 = tpu.memref_slice %arg2[%dma_wait3A_44, %dma_wait3A_45] : memref<10240x128xf32, #tpu.memory_space<hbm>> -> memref<10240x128xf32, #tpu.memory_space<hbm>>
        tpu.wait_indirect_dma semaphore(%run_scoped3A : memref<!tpu.dma_semaphore, #tpu.memory_space<semaphore_mem>>) src(%dma_wait3A_46 : memref<10240x128xf32, #tpu.memory_space<hbm>>) dst(%arg8 : memref<128x128xf32, #tpu.memory_space<vmem>>)
        tpu.yield
      }) : () -> ()
      "tpu.region"() ({
        %run_scoped3A = tpu.sem_alloc : memref<!tpu.dma_semaphore, #tpu.memory_space<semaphore_mem>>
        %dma_start3A = arith.constant 0 : i32
        %dma_start3A_37 = tpu.memref_slice %arg7[%while3A_36, %dma_start3A] : memref<81x128xi32, #tpu.memory_space<vmem>> -> memref<1x128xi32, #tpu.memory_space<vmem>>
        %dma_start3A_38 = tpu.memref_squeeze %dma_start3A_37 : memref<1x128xi32, #tpu.memory_space<vmem>> -> memref<128xi32, #tpu.memory_space<vmem>>
        %dma_start3A_39 = arith.constant 0 : i32
        %dma_start3A_40 = arith.constant 0 : i32
        %dma_start3A_41 = tpu.memref_slice %arg9[%dma_start3A_39, %dma_start3A_40] : memref<10240x128xf32, #tpu.memory_space<vmem_shared>> -> memref<10240x128xf32, #tpu.memory_space<vmem_shared>>
        tpu.enqueue_indirect_dma source(%arg8 : memref<128x128xf32, #tpu.memory_space<vmem>>) target(%dma_start3A_41 : memref<10240x128xf32, #tpu.memory_space<vmem_shared>>) offsets(%dma_start3A_38 : memref<128xi32, #tpu.memory_space<vmem>>) semaphore(%run_scoped3A : memref<!tpu.dma_semaphore, #tpu.memory_space<semaphore_mem>>) {add = true}
        %dma_wait3A = arith.constant 0 : i32
        %dma_wait3A_42 = tpu.memref_slice %arg7[%while3A_36, %dma_wait3A] : memref<81x128xi32, #tpu.memory_space<vmem>> -> memref<1x128xi32, #tpu.memory_space<vmem>>
        %dma_wait3A_43 = tpu.memref_squeeze %dma_wait3A_42 : memref<1x128xi32, #tpu.memory_space<vmem>> -> memref<128xi32, #tpu.memory_space<vmem>>
        %dma_wait3A_44 = arith.constant 0 : i32
        %dma_wait3A_45 = arith.constant 0 : i32
        %dma_wait3A_46 = tpu.memref_slice %arg9[%dma_wait3A_44, %dma_wait3A_45] : memref<10240x128xf32, #tpu.memory_space<vmem_shared>> -> memref<10240x128xf32, #tpu.memory_space<vmem_shared>>
        tpu.wait_indirect_dma semaphore(%run_scoped3A : memref<!tpu.dma_semaphore, #tpu.memory_space<semaphore_mem>>) src(%arg8 : memref<128x128xf32, #tpu.memory_space<vmem>>) dst(%dma_wait3A_46 : memref<10240x128xf32, #tpu.memory_space<vmem_shared>>)
        tpu.yield
      }) : () -> ()
    }
    %barrier3A_25 = arith.constant 0 : index
    tpu.barrier barrier_id(%barrier3A_25)
    %add3A_26 = arith.constant 0 : i32
    %add3A_27 = arith.addi %mul3A_5, %add3A_26 : i32
    "tpu.region"() ({
      %run_scoped3A = tpu.sem_alloc : memref<!tpu.dma_semaphore, #tpu.memory_space<semaphore_mem>>
      %dma_start3A = arith.constant 0 : i32
      %dma_start3A_36 = tpu.memref_slice %arg5[%arg0, %add3A_27, %dma_start3A] : memref<2x10240x128xf32, #tpu.memory_space<hbm>> -> memref<1x128x128xf32, #tpu.memory_space<hbm>>
      %dma_start3A_37 = tpu.memref_squeeze %dma_start3A_36 : memref<1x128x128xf32, #tpu.memory_space<hbm>> -> memref<128x128xf32, #tpu.memory_space<hbm>>
      %dma_start3A_38 = arith.constant 0 : i32
      %dma_start3A_39 = tpu.memref_slice %arg9[%add3A_27, %dma_start3A_38] : memref<10240x128xf32, #tpu.memory_space<vmem_shared>> -> memref<128x128xf32, #tpu.memory_space<vmem_shared>>
      tpu.enqueue_dma source(%dma_start3A_39 : memref<128x128xf32, #tpu.memory_space<vmem_shared>>) target(%dma_start3A_37 : memref<128x128xf32, #tpu.memory_space<hbm>>) target_semaphore(%run_scoped3A : memref<!tpu.dma_semaphore, #tpu.memory_space<semaphore_mem>>)
      %dma_wait3A = arith.constant 0 : i32
      %dma_wait3A_40 = tpu.memref_slice %arg5[%arg0, %add3A_27, %dma_wait3A] : memref<2x10240x128xf32, #tpu.memory_space<hbm>> -> memref<1x128x128xf32, #tpu.memory_space<hbm>>
      %dma_wait3A_41 = tpu.memref_squeeze %dma_wait3A_40 : memref<1x128x128xf32, #tpu.memory_space<hbm>> -> memref<128x128xf32, #tpu.memory_space<hbm>>
      %dma_wait3A_42 = arith.constant 0 : i32
      %dma_wait3A_43 = tpu.memref_slice %arg9[%add3A_27, %dma_wait3A_42] : memref<10240x128xf32, #tpu.memory_space<vmem_shared>> -> memref<128x128xf32, #tpu.memory_space<vmem_shared>>
      tpu.wait_dma2 semaphore(%run_scoped3A : memref<!tpu.dma_semaphore, #tpu.memory_space<semaphore_mem>>) src(%dma_wait3A_43 : memref<128x128xf32, #tpu.memory_space<vmem_shared>>) dst(%dma_wait3A_41 : memref<128x128xf32, #tpu.memory_space<hbm>>)
      tpu.yield
    }) : () -> ()
    %add3A_28 = arith.constant 128 : i32
    %add3A_29 = arith.addi %mul3A_5, %add3A_28 : i32
    "tpu.region"() ({
      %run_scoped3A = tpu.sem_alloc : memref<!tpu.dma_semaphore, #tpu.memory_space<semaphore_mem>>
      %dma_start3A = arith.constant 0 : i32
      %dma_start3A_36 = tpu.memref_slice %arg5[%arg0, %add3A_29, %dma_start3A] : memref<2x10240x128xf32, #tpu.memory_space<hbm>> -> memref<1x128x128xf32, #tpu.memory_space<hbm>>
      %dma_start3A_37 = tpu.memref_squeeze %dma_start3A_36 : memref<1x128x128xf32, #tpu.memory_space<hbm>> -> memref<128x128xf32, #tpu.memory_space<hbm>>
      %dma_start3A_38 = arith.constant 0 : i32
      %dma_start3A_39 = tpu.memref_slice %arg9[%add3A_29, %dma_start3A_38] : memref<10240x128xf32, #tpu.memory_space<vmem_shared>> -> memref<128x128xf32, #tpu.memory_space<vmem_shared>>
      tpu.enqueue_dma source(%dma_start3A_39 : memref<128x128xf32, #tpu.memory_space<vmem_shared>>) target(%dma_start3A_37 : memref<128x128xf32, #tpu.memory_space<hbm>>) target_semaphore(%run_scoped3A : memref<!tpu.dma_semaphore, #tpu.memory_space<semaphore_mem>>)
      %dma_wait3A = arith.constant 0 : i32
      %dma_wait3A_40 = tpu.memref_slice %arg5[%arg0, %add3A_29, %dma_wait3A] : memref<2x10240x128xf32, #tpu.memory_space<hbm>> -> memref<1x128x128xf32, #tpu.memory_space<hbm>>
      %dma_wait3A_41 = tpu.memref_squeeze %dma_wait3A_40 : memref<1x128x128xf32, #tpu.memory_space<hbm>> -> memref<128x128xf32, #tpu.memory_space<hbm>>
      %dma_wait3A_42 = arith.constant 0 : i32
      %dma_wait3A_43 = tpu.memref_slice %arg9[%add3A_29, %dma_wait3A_42] : memref<10240x128xf32, #tpu.memory_space<vmem_shared>> -> memref<128x128xf32, #tpu.memory_space<vmem_shared>>
      tpu.wait_dma2 semaphore(%run_scoped3A : memref<!tpu.dma_semaphore, #tpu.memory_space<semaphore_mem>>) src(%dma_wait3A_43 : memref<128x128xf32, #tpu.memory_space<vmem_shared>>) dst(%dma_wait3A_41 : memref<128x128xf32, #tpu.memory_space<hbm>>)
      tpu.yield
    }) : () -> ()
    %add3A_30 = arith.constant 256 : i32
    %add3A_31 = arith.addi %mul3A_5, %add3A_30 : i32
    "tpu.region"() ({
      %run_scoped3A = tpu.sem_alloc : memref<!tpu.dma_semaphore, #tpu.memory_space<semaphore_mem>>
      %dma_start3A = arith.constant 0 : i32
      %dma_start3A_36 = tpu.memref_slice %arg5[%arg0, %add3A_31, %dma_start3A] : memref<2x10240x128xf32, #tpu.memory_space<hbm>> -> memref<1x128x128xf32, #tpu.memory_space<hbm>>
      %dma_start3A_37 = tpu.memref_squeeze %dma_start3A_36 : memref<1x128x128xf32, #tpu.memory_space<hbm>> -> memref<128x128xf32, #tpu.memory_space<hbm>>
      %dma_start3A_38 = arith.constant 0 : i32
      %dma_start3A_39 = tpu.memref_slice %arg9[%add3A_31, %dma_start3A_38] : memref<10240x128xf32, #tpu.memory_space<vmem_shared>> -> memref<128x128xf32, #tpu.memory_space<vmem_shared>>
      tpu.enqueue_dma source(%dma_start3A_39 : memref<128x128xf32, #tpu.memory_space<vmem_shared>>) target(%dma_start3A_37 : memref<128x128xf32, #tpu.memory_space<hbm>>) target_semaphore(%run_scoped3A : memref<!tpu.dma_semaphore, #tpu.memory_space<semaphore_mem>>)
      %dma_wait3A = arith.constant 0 : i32
      %dma_wait3A_40 = tpu.memref_slice %arg5[%arg0, %add3A_31, %dma_wait3A] : memref<2x10240x128xf32, #tpu.memory_space<hbm>> -> memref<1x128x128xf32, #tpu.memory_space<hbm>>
      %dma_wait3A_41 = tpu.memref_squeeze %dma_wait3A_40 : memref<1x128x128xf32, #tpu.memory_space<hbm>> -> memref<128x128xf32, #tpu.memory_space<hbm>>
      %dma_wait3A_42 = arith.constant 0 : i32
      %dma_wait3A_43 = tpu.memref_slice %arg9[%add3A_31, %dma_wait3A_42] : memref<10240x128xf32, #tpu.memory_space<vmem_shared>> -> memref<128x128xf32, #tpu.memory_space<vmem_shared>>
      tpu.wait_dma2 semaphore(%run_scoped3A : memref<!tpu.dma_semaphore, #tpu.memory_space<semaphore_mem>>) src(%dma_wait3A_43 : memref<128x128xf32, #tpu.memory_space<vmem_shared>>) dst(%dma_wait3A_41 : memref<128x128xf32, #tpu.memory_space<hbm>>)
      tpu.yield
    }) : () -> ()
    %add3A_32 = arith.constant 384 : i32
    %add3A_33 = arith.addi %mul3A_5, %add3A_32 : i32
    "tpu.region"() ({
      %run_scoped3A = tpu.sem_alloc : memref<!tpu.dma_semaphore, #tpu.memory_space<semaphore_mem>>
      %dma_start3A = arith.constant 0 : i32
      %dma_start3A_36 = tpu.memref_slice %arg5[%arg0, %add3A_33, %dma_start3A] : memref<2x10240x128xf32, #tpu.memory_space<hbm>> -> memref<1x128x128xf32, #tpu.memory_space<hbm>>
      %dma_start3A_37 = tpu.memref_squeeze %dma_start3A_36 : memref<1x128x128xf32, #tpu.memory_space<hbm>> -> memref<128x128xf32, #tpu.memory_space<hbm>>
      %dma_start3A_38 = arith.constant 0 : i32
      %dma_start3A_39 = tpu.memref_slice %arg9[%add3A_33, %dma_start3A_38] : memref<10240x128xf32, #tpu.memory_space<vmem_shared>> -> memref<128x128xf32, #tpu.memory_space<vmem_shared>>
      tpu.enqueue_dma source(%dma_start3A_39 : memref<128x128xf32, #tpu.memory_space<vmem_shared>>) target(%dma_start3A_37 : memref<128x128xf32, #tpu.memory_space<hbm>>) target_semaphore(%run_scoped3A : memref<!tpu.dma_semaphore, #tpu.memory_space<semaphore_mem>>)
      %dma_wait3A = arith.constant 0 : i32
      %dma_wait3A_40 = tpu.memref_slice %arg5[%arg0, %add3A_33, %dma_wait3A] : memref<2x10240x128xf32, #tpu.memory_space<hbm>> -> memref<1x128x128xf32, #tpu.memory_space<hbm>>
      %dma_wait3A_41 = tpu.memref_squeeze %dma_wait3A_40 : memref<1x128x128xf32, #tpu.memory_space<hbm>> -> memref<128x128xf32, #tpu.memory_space<hbm>>
      %dma_wait3A_42 = arith.constant 0 : i32
      %dma_wait3A_43 = tpu.memref_slice %arg9[%add3A_33, %dma_wait3A_42] : memref<10240x128xf32, #tpu.memory_space<vmem_shared>> -> memref<128x128xf32, #tpu.memory_space<vmem_shared>>
      tpu.wait_dma2 semaphore(%run_scoped3A : memref<!tpu.dma_semaphore, #tpu.memory_space<semaphore_mem>>) src(%dma_wait3A_43 : memref<128x128xf32, #tpu.memory_space<vmem_shared>>) dst(%dma_wait3A_41 : memref<128x128xf32, #tpu.memory_space<hbm>>)
      tpu.yield
    }) : () -> ()
    %add3A_34 = arith.constant 512 : i32
    %add3A_35 = arith.addi %mul3A_5, %add3A_34 : i32
    "tpu.region"() ({
      %run_scoped3A = tpu.sem_alloc : memref<!tpu.dma_semaphore, #tpu.memory_space<semaphore_mem>>
      %dma_start3A = arith.constant 0 : i32
      %dma_start3A_36 = tpu.memref_slice %arg5[%arg0, %add3A_35, %dma_start3A] : memref<2x10240x128xf32, #tpu.memory_space<hbm>> -> memref<1x128x128xf32, #tpu.memory_space<hbm>>
      %dma_start3A_37 = tpu.memref_squeeze %dma_start3A_36 : memref<1x128x128xf32, #tpu.memory_space<hbm>> -> memref<128x128xf32, #tpu.memory_space<hbm>>
      %dma_start3A_38 = arith.constant 0 : i32
      %dma_start3A_39 = tpu.memref_slice %arg9[%add3A_35, %dma_start3A_38] : memref<10240x128xf32, #tpu.memory_space<vmem_shared>> -> memref<128x128xf32, #tpu.memory_space<vmem_shared>>
      tpu.enqueue_dma source(%dma_start3A_39 : memref<128x128xf32, #tpu.memory_space<vmem_shared>>) target(%dma_start3A_37 : memref<128x128xf32, #tpu.memory_space<hbm>>) target_semaphore(%run_scoped3A : memref<!tpu.dma_semaphore, #tpu.memory_space<semaphore_mem>>)
      %dma_wait3A = arith.constant 0 : i32
      %dma_wait3A_40 = tpu.memref_slice %arg5[%arg0, %add3A_35, %dma_wait3A] : memref<2x10240x128xf32, #tpu.memory_space<hbm>> -> memref<1x128x128xf32, #tpu.memory_space<hbm>>
      %dma_wait3A_41 = tpu.memref_squeeze %dma_wait3A_40 : memref<1x128x128xf32, #tpu.memory_space<hbm>> -> memref<128x128xf32, #tpu.memory_space<hbm>>
      %dma_wait3A_42 = arith.constant 0 : i32
      %dma_wait3A_43 = tpu.memref_slice %arg9[%add3A_35, %dma_wait3A_42] : memref<10240x128xf32, #tpu.memory_space<vmem_shared>> -> memref<128x128xf32, #tpu.memory_space<vmem_shared>>
      tpu.wait_dma2 semaphore(%run_scoped3A : memref<!tpu.dma_semaphore, #tpu.memory_space<semaphore_mem>>) src(%dma_wait3A_43 : memref<128x128xf32, #tpu.memory_space<vmem_shared>>) dst(%dma_wait3A_41 : memref<128x128xf32, #tpu.memory_space<hbm>>)
      tpu.yield
    }) : () -> ()
    return
  }
}

module attributes {stable_mosaic.version = 14 : i64} {
  func.func @_stage1_body(%arg0: memref<10240x128xf32, #tpu.memory_space<vmem>>, %arg1: memref<1x128xf32, #tpu.memory_space<vmem>>, %arg2: memref<1x128xf32, #tpu.memory_space<vmem>>, %arg3: memref<128x128xf32, #tpu.memory_space<vmem>>, %arg4: memref<32x2x10240xf32, #tpu.memory_space<vmem>>, %arg5: memref<10240x128xf32, #tpu.memory_space<vmem>>, %arg6: memref<1x128xf32, #tpu.memory_space<vmem>>) attributes {dimension_semantics = [], scalar_prefetch = 0 : i64, scratch_operands = 0 : i64, tpu.core_type = #tpu.core_type<tc>} {
    %get3A = arith.constant 0 : index
    %get3A_0 = arith.constant 0 : index
    %get3A_1 = vector.load %arg0[%get3A, %get3A_0] : memref<10240x128xf32, #tpu.memory_space<vmem>>, vector<10240x128xf32>
    %get3A_2 = arith.constant 0 : index
    %get3A_3 = arith.constant 0 : index
    %get3A_4 = arith.constant 0 : index
    %get3A_5 = vector.load %arg4[%get3A_2, %get3A_3, %get3A_4] : memref<32x2x10240xf32, #tpu.memory_space<vmem>>, vector<32x2x10240xf32>
    %reduce_sum3A = arith.constant dense<0.000000e+00> : vector<2x10240xf32>
    %reduce_sum3A_6 = vector.multi_reduction <add>, %get3A_5, %reduce_sum3A [0] : vector<32x2x10240xf32> to vector<2x10240xf32>
    %slice3A = vector.extract_strided_slice %reduce_sum3A_6 {offsets = [0, 0], sizes = [1, 10240], strides = [1, 1]} : vector<2x10240xf32> to vector<1x10240xf32>
    %squeeze3A = vector.shape_cast %slice3A : vector<1x10240xf32> to vector<10240xf32>
    %max3A = arith.constant 1.000000e+00 : f32
    %max3A_7 = vector.broadcast %max3A : f32 to vector<10240xf32>
    %max3A_8 = arith.maximumf %squeeze3A, %max3A_7 : vector<10240xf32>
    %rsqrt3A = math.rsqrt %max3A_8 : vector<10240xf32>
    %iota3A = tpu.iota {dimensions = array<i32: 0>} : vector<10240x1xi32>
    %lt3A = arith.constant 10000 : i32
    %lt3A_9 = vector.broadcast %lt3A : i32 to vector<10240x1xi32>
    %lt3A_10 = arith.cmpi slt, %iota3A, %lt3A_9 : vector<10240x1xi32>
    %reduce_sum3A_11 = arith.constant dense<0.000000e+00> : vector<128xf32>
    %reduce_sum3A_12 = vector.multi_reduction <add>, %get3A_1, %reduce_sum3A_11 [0] : vector<10240x128xf32> to vector<128xf32>
    %broadcast_in_dim3A = vector.shape_cast %reduce_sum3A_12 : vector<128xf32> to vector<1x128xf32>
    %div3A = arith.constant 1.000000e+04 : f32
    %div3A_13 = vector.broadcast %div3A : f32 to vector<1x128xf32>
    %div3A_14 = arith.divf %broadcast_in_dim3A, %div3A_13 : vector<1x128xf32>
    %sub3A = vector.broadcast %div3A_14 : vector<1x128xf32> to vector<10240x128xf32>
    %sub3A_15 = arith.subf %get3A_1, %sub3A : vector<10240x128xf32>
    %jit3A = arith.constant 0.000000e+00 : f32
    %broadcast_in_dim3A_16 = vector.shape_cast %lt3A_10 : vector<10240x1xi1> to vector<10240x1xi1>
    %broadcast_in_dim3A_17 = vector.broadcast %broadcast_in_dim3A_16 : vector<10240x1xi1> to vector<10240x128xi1>
    %broadcast_in_dim3A_18 = vector.broadcast %jit3A : f32 to vector<10240x128xf32>
    %select_n3A = arith.select %broadcast_in_dim3A_17, %sub3A_15, %broadcast_in_dim3A_18 : vector<10240x128xi1>, vector<10240x128xf32>
    %mul3A = arith.mulf %select_n3A, %select_n3A : vector<10240x128xf32>
    %reduce_sum3A_19 = arith.constant dense<0.000000e+00> : vector<128xf32>
    %reduce_sum3A_20 = vector.multi_reduction <add>, %mul3A, %reduce_sum3A_19 [0] : vector<10240x128xf32> to vector<128xf32>
    %broadcast_in_dim3A_21 = vector.shape_cast %reduce_sum3A_20 : vector<128xf32> to vector<1x128xf32>
    %div3A_22 = arith.constant 1.000000e+04 : f32
    %div3A_23 = vector.broadcast %div3A_22 : f32 to vector<1x128xf32>
    %div3A_24 = arith.divf %broadcast_in_dim3A_21, %div3A_23 : vector<1x128xf32>
    %add3A = arith.constant 9.99999974E-6 : f32
    %add3A_25 = vector.broadcast %add3A : f32 to vector<1x128xf32>
    %add3A_26 = arith.addf %div3A_24, %add3A_25 : vector<1x128xf32>
    %rsqrt3A_27 = math.rsqrt %add3A_26 : vector<1x128xf32>
    %mul3A_28 = vector.broadcast %rsqrt3A_27 : vector<1x128xf32> to vector<10240x128xf32>
    %mul3A_29 = arith.mulf %select_n3A, %mul3A_28 : vector<10240x128xf32>
    %get3A_30 = arith.constant 0 : index
    %get3A_31 = arith.constant 0 : index
    %get3A_32 = vector.load %arg1[%get3A_30, %get3A_31] : memref<1x128xf32, #tpu.memory_space<vmem>>, vector<1x128xf32>
    %mul3A_33 = vector.broadcast %get3A_32 : vector<1x128xf32> to vector<10240x128xf32>
    %mul3A_34 = arith.mulf %mul3A_29, %mul3A_33 : vector<10240x128xf32>
    %get3A_35 = arith.constant 0 : index
    %get3A_36 = arith.constant 0 : index
    %get3A_37 = vector.load %arg2[%get3A_35, %get3A_36] : memref<1x128xf32, #tpu.memory_space<vmem>>, vector<1x128xf32>
    %add3A_38 = vector.broadcast %get3A_37 : vector<1x128xf32> to vector<10240x128xf32>
    %add3A_39 = arith.addf %mul3A_34, %add3A_38 : vector<10240x128xf32>
    %get3A_40 = arith.constant 0 : index
    %get3A_41 = arith.constant 0 : index
    %get3A_42 = vector.load %arg3[%get3A_40, %get3A_41] : memref<128x128xf32, #tpu.memory_space<vmem>>, vector<128x128xf32>
    %dot_general3A = arith.constant dense<0.000000e+00> : vector<10240x128xf32>
    %dot_general3A_43 = tpu.matmul %add3A_39, %get3A_42, %dot_general3A {dimension_numbers = #tpu.dot_dimension_numbers<[1], [0], [0], [1], [0, 0, 1, 1], [], []>, transpose_lhs_hint = false} : vector<10240x128xf32>, vector<128x128xf32>, vector<10240x128xf32> -> vector<10240x128xf32>
    %broadcast_in_dim3A_44 = vector.shape_cast %rsqrt3A : vector<10240xf32> to vector<10240x1xf32>
    %mul3A_45 = vector.broadcast %broadcast_in_dim3A_44 : vector<10240x1xf32> to vector<10240x128xf32>
    %mul3A_46 = arith.mulf %dot_general3A_43, %mul3A_45 : vector<10240x128xf32>
    %swap3A = arith.constant 0 : index
    %swap3A_47 = arith.constant 0 : index
    %swap3A_48 = vector.load %arg5[%swap3A, %swap3A_47] : memref<10240x128xf32, #tpu.memory_space<vmem>>, vector<10240x128xf32>
    tpu.vector_store %arg5[%swap3A, %swap3A_47], %mul3A_46 {strides = array<i32>} : memref<10240x128xf32, #tpu.memory_space<vmem>>, vector<10240x128xf32>,
    %swap3A_49 = arith.constant 0 : index
    %swap3A_50 = arith.constant 0 : index
    %swap3A_51 = vector.load %arg6[%swap3A_49, %swap3A_50] : memref<1x128xf32, #tpu.memory_space<vmem>>, vector<1x128xf32>
    tpu.vector_store %arg6[%swap3A_49, %swap3A_50], %div3A_14 {strides = array<i32>} : memref<1x128xf32, #tpu.memory_space<vmem>>, vector<1x128xf32>,
    return
  }
}

module attributes {stable_mosaic.version = 14 : i64} {
  func.func @_stage2_body(%arg0: memref<2x10240x128xf32, #tpu.memory_space<vmem>>, %arg1: memref<10240x128xf32, #tpu.memory_space<vmem>>, %arg2: memref<1x128xf32, #tpu.memory_space<vmem>>, %arg3: memref<1x128xf32, #tpu.memory_space<vmem>>, %arg4: memref<128x128xf32, #tpu.memory_space<vmem>>, %arg5: memref<1x128xf32, #tpu.memory_space<vmem>>, %arg6: memref<32x2x10240xf32, #tpu.memory_space<vmem>>, %arg7: memref<10240x128xf32, #tpu.memory_space<vmem>>, %arg8: memref<10240x128xf32, #tpu.memory_space<vmem>>) attributes {dimension_semantics = [], scalar_prefetch = 0 : i64, scratch_operands = 0 : i64, tpu.core_type = #tpu.core_type<tc>} {
    %get3A = arith.constant 0 : index
    %get3A_0 = arith.constant 0 : index
    %get3A_1 = arith.constant 0 : index
    %get3A_2 = vector.load %arg6[%get3A, %get3A_0, %get3A_1] : memref<32x2x10240xf32, #tpu.memory_space<vmem>>, vector<32x2x10240xf32>
    %reduce_sum3A = arith.constant dense<0.000000e+00> : vector<2x10240xf32>
    %reduce_sum3A_3 = vector.multi_reduction <add>, %get3A_2, %reduce_sum3A [0] : vector<32x2x10240xf32> to vector<2x10240xf32>
    %slice3A = vector.extract_strided_slice %reduce_sum3A_3 {offsets = [0, 0], sizes = [1, 10240], strides = [1, 1]} : vector<2x10240xf32> to vector<1x10240xf32>
    %squeeze3A = vector.shape_cast %slice3A : vector<1x10240xf32> to vector<10240xf32>
    %max3A = arith.constant 1.000000e+00 : f32
    %max3A_4 = vector.broadcast %max3A : f32 to vector<10240xf32>
    %max3A_5 = arith.maximumf %squeeze3A, %max3A_4 : vector<10240xf32>
    %rsqrt3A = math.rsqrt %max3A_5 : vector<10240xf32>
    %slice3A_6 = vector.extract_strided_slice %reduce_sum3A_3 {offsets = [1, 0], sizes = [1, 10240], strides = [1, 1]} : vector<2x10240xf32> to vector<1x10240xf32>
    %squeeze3A_7 = vector.shape_cast %slice3A_6 : vector<1x10240xf32> to vector<10240xf32>
    %max3A_8 = arith.constant 1.000000e+00 : f32
    %max3A_9 = vector.broadcast %max3A_8 : f32 to vector<10240xf32>
    %max3A_10 = arith.maximumf %squeeze3A_7, %max3A_9 : vector<10240xf32>
    %rsqrt3A_11 = math.rsqrt %max3A_10 : vector<10240xf32>
    %iota3A = tpu.iota {dimensions = array<i32: 0>} : vector<10240x1xi32>
    %lt3A = arith.constant 10000 : i32
    %lt3A_12 = vector.broadcast %lt3A : i32 to vector<10240x1xi32>
    %lt3A_13 = arith.cmpi slt, %iota3A, %lt3A_12 : vector<10240x1xi32>
    %get3A_14 = arith.constant 0 : index
    %get3A_15 = arith.constant 0 : index
    %get3A_16 = arith.constant 0 : index
    %get3A_17 = vector.load %arg0[%get3A_14, %get3A_15, %get3A_16] : memref<2x10240x128xf32, #tpu.memory_space<vmem>>, vector<1x10240x128xf32>
    %get3A_18 = vector.shape_cast %get3A_17 : vector<1x10240x128xf32> to vector<10240x128xf32>
    %get3A_19 = arith.constant 1 : index
    %get3A_20 = arith.constant 0 : index
    %get3A_21 = arith.constant 0 : index
    %get3A_22 = vector.load %arg0[%get3A_19, %get3A_20, %get3A_21] : memref<2x10240x128xf32, #tpu.memory_space<vmem>>, vector<1x10240x128xf32>
    %get3A_23 = vector.shape_cast %get3A_22 : vector<1x10240x128xf32> to vector<10240x128xf32>
    %add3A = arith.addf %get3A_18, %get3A_23 : vector<10240x128xf32>
    %broadcast_in_dim3A = vector.shape_cast %rsqrt3A_11 : vector<10240xf32> to vector<10240x1xf32>
    %mul3A = vector.broadcast %broadcast_in_dim3A : vector<10240x1xf32> to vector<10240x128xf32>
    %mul3A_24 = arith.mulf %add3A, %mul3A : vector<10240x128xf32>
    %get3A_25 = arith.constant 0 : index
    %get3A_26 = arith.constant 0 : index
    %get3A_27 = vector.load %arg5[%get3A_25, %get3A_26] : memref<1x128xf32, #tpu.memory_space<vmem>>, vector<1x128xf32>
    %add3A_28 = vector.broadcast %get3A_27 : vector<1x128xf32> to vector<10240x128xf32>
    %add3A_29 = arith.addf %mul3A_24, %add3A_28 : vector<10240x128xf32>
    %get3A_30 = arith.constant 0 : index
    %get3A_31 = arith.constant 0 : index
    %get3A_32 = vector.load %arg1[%get3A_30, %get3A_31] : memref<10240x128xf32, #tpu.memory_space<vmem>>, vector<10240x128xf32>
    %max3A_33 = arith.constant 0.000000e+00 : f32
    %max3A_34 = vector.broadcast %max3A_33 : f32 to vector<10240x128xf32>
    %max3A_35 = arith.maximumf %add3A_29, %max3A_34 : vector<10240x128xf32>
    %add3A_36 = arith.addf %get3A_32, %max3A_35 : vector<10240x128xf32>
    %jit3A = arith.constant 0.000000e+00 : f32
    %broadcast_in_dim3A_37 = vector.shape_cast %lt3A_13 : vector<10240x1xi1> to vector<10240x1xi1>
    %broadcast_in_dim3A_38 = vector.broadcast %broadcast_in_dim3A_37 : vector<10240x1xi1> to vector<10240x128xi1>
    %broadcast_in_dim3A_39 = vector.broadcast %jit3A : f32 to vector<10240x128xf32>
    %select_n3A = arith.select %broadcast_in_dim3A_38, %add3A_36, %broadcast_in_dim3A_39 : vector<10240x128xi1>, vector<10240x128xf32>
    %reduce_sum3A_40 = arith.constant dense<0.000000e+00> : vector<128xf32>
    %reduce_sum3A_41 = vector.multi_reduction <add>, %select_n3A, %reduce_sum3A_40 [0] : vector<10240x128xf32> to vector<128xf32>
    %broadcast_in_dim3A_42 = vector.shape_cast %reduce_sum3A_41 : vector<128xf32> to vector<1x128xf32>
    %div3A = arith.constant 1.000000e+04 : f32
    %div3A_43 = vector.broadcast %div3A : f32 to vector<1x128xf32>
    %div3A_44 = arith.divf %broadcast_in_dim3A_42, %div3A_43 : vector<1x128xf32>
    %sub3A = vector.broadcast %div3A_44 : vector<1x128xf32> to vector<10240x128xf32>
    %sub3A_45 = arith.subf %select_n3A, %sub3A : vector<10240x128xf32>
    %jit3A_46 = arith.constant 0.000000e+00 : f32
    %broadcast_in_dim3A_47 = vector.shape_cast %lt3A_13 : vector<10240x1xi1> to vector<10240x1xi1>
    %broadcast_in_dim3A_48 = vector.broadcast %broadcast_in_dim3A_47 : vector<10240x1xi1> to vector<10240x128xi1>
    %broadcast_in_dim3A_49 = vector.broadcast %jit3A_46 : f32 to vector<10240x128xf32>
    %select_n3A_50 = arith.select %broadcast_in_dim3A_48, %sub3A_45, %broadcast_in_dim3A_49 : vector<10240x128xi1>, vector<10240x128xf32>
    %mul3A_51 = arith.mulf %select_n3A_50, %select_n3A_50 : vector<10240x128xf32>
    %reduce_sum3A_52 = arith.constant dense<0.000000e+00> : vector<128xf32>
    %reduce_sum3A_53 = vector.multi_reduction <add>, %mul3A_51, %reduce_sum3A_52 [0] : vector<10240x128xf32> to vector<128xf32>
    %broadcast_in_dim3A_54 = vector.shape_cast %reduce_sum3A_53 : vector<128xf32> to vector<1x128xf32>
    %div3A_55 = arith.constant 1.000000e+04 : f32
    %div3A_56 = vector.broadcast %div3A_55 : f32 to vector<1x128xf32>
    %div3A_57 = arith.divf %broadcast_in_dim3A_54, %div3A_56 : vector<1x128xf32>
    %add3A_58 = arith.constant 9.99999974E-6 : f32
    %add3A_59 = vector.broadcast %add3A_58 : f32 to vector<1x128xf32>
    %add3A_60 = arith.addf %div3A_57, %add3A_59 : vector<1x128xf32>
    %rsqrt3A_61 = math.rsqrt %add3A_60 : vector<1x128xf32>
    %mul3A_62 = vector.broadcast %rsqrt3A_61 : vector<1x128xf32> to vector<10240x128xf32>
    %mul3A_63 = arith.mulf %select_n3A_50, %mul3A_62 : vector<10240x128xf32>
    %get3A_64 = arith.constant 0 : index
    %get3A_65 = arith.constant 0 : index
    %get3A_66 = vector.load %arg2[%get3A_64, %get3A_65] : memref<1x128xf32, #tpu.memory_space<vmem>>, vector<1x128xf32>
    %mul3A_67 = vector.broadcast %get3A_66 : vector<1x128xf32> to vector<10240x128xf32>
    %mul3A_68 = arith.mulf %mul3A_63, %mul3A_67 : vector<10240x128xf32>
    %get3A_69 = arith.constant 0 : index
    %get3A_70 = arith.constant 0 : index
    %get3A_71 = vector.load %arg3[%get3A_69, %get3A_70] : memref<1x128xf32, #tpu.memory_space<vmem>>, vector<1x128xf32>
    %add3A_72 = vector.broadcast %get3A_71 : vector<1x128xf32> to vector<10240x128xf32>
    %add3A_73 = arith.addf %mul3A_68, %add3A_72 : vector<10240x128xf32>
    %get3A_74 = arith.constant 0 : index
    %get3A_75 = arith.constant 0 : index
    %get3A_76 = vector.load %arg4[%get3A_74, %get3A_75] : memref<128x128xf32, #tpu.memory_space<vmem>>, vector<128x128xf32>
    %dot_general3A = arith.constant dense<0.000000e+00> : vector<10240x128xf32>
    %dot_general3A_77 = tpu.matmul %add3A_73, %get3A_76, %dot_general3A {dimension_numbers = #tpu.dot_dimension_numbers<[1], [0], [0], [1], [0, 0, 1, 1], [], []>, transpose_lhs_hint = false} : vector<10240x128xf32>, vector<128x128xf32>, vector<10240x128xf32> -> vector<10240x128xf32>
    %swap3A = arith.constant 0 : index
    %swap3A_78 = arith.constant 0 : index
    %swap3A_79 = vector.load %arg7[%swap3A, %swap3A_78] : memref<10240x128xf32, #tpu.memory_space<vmem>>, vector<10240x128xf32>
    tpu.vector_store %arg7[%swap3A, %swap3A_78], %select_n3A {strides = array<i32>} : memref<10240x128xf32, #tpu.memory_space<vmem>>, vector<10240x128xf32>,
    %broadcast_in_dim3A_80 = vector.shape_cast %rsqrt3A : vector<10240xf32> to vector<10240x1xf32>
    %mul3A_81 = vector.broadcast %broadcast_in_dim3A_80 : vector<10240x1xf32> to vector<10240x128xf32>
    %mul3A_82 = arith.mulf %dot_general3A_77, %mul3A_81 : vector<10240x128xf32>
    %swap3A_83 = arith.constant 0 : index
    %swap3A_84 = arith.constant 0 : index
    %swap3A_85 = vector.load %arg8[%swap3A_83, %swap3A_84] : memref<10240x128xf32, #tpu.memory_space<vmem>>, vector<10240x128xf32>
    tpu.vector_store %arg8[%swap3A_83, %swap3A_84], %mul3A_82 {strides = array<i32>} : memref<10240x128xf32, #tpu.memory_space<vmem>>, vector<10240x128xf32>,
    return
  }
}

module attributes {stable_mosaic.version = 14 : i64} {
  func.func @_stage3_body(%arg0: memref<2x10240x128xf32, #tpu.memory_space<vmem>>, %arg1: memref<10240x128xf32, #tpu.memory_space<vmem>>, %arg2: memref<32x2x10240xf32, #tpu.memory_space<vmem>>, %arg3: memref<1x128xf32, #tpu.memory_space<vmem>>, %arg4: memref<1x128xf32, #tpu.memory_space<vmem>>, %arg5: memref<1x1xf32, #tpu.memory_space<vmem>>, %arg6: memref<1x128xf32, #tpu.memory_space<vmem>>) attributes {dimension_semantics = [], scalar_prefetch = 0 : i64, scratch_operands = 0 : i64, tpu.core_type = #tpu.core_type<tc>} {
    %get3A = arith.constant 0 : index
    %get3A_0 = arith.constant 0 : index
    %get3A_1 = arith.constant 0 : index
    %get3A_2 = vector.load %arg2[%get3A, %get3A_0, %get3A_1] : memref<32x2x10240xf32, #tpu.memory_space<vmem>>, vector<32x2x10240xf32>
    %reduce_sum3A = arith.constant dense<0.000000e+00> : vector<2x10240xf32>
    %reduce_sum3A_3 = vector.multi_reduction <add>, %get3A_2, %reduce_sum3A [0] : vector<32x2x10240xf32> to vector<2x10240xf32>
    %slice3A = vector.extract_strided_slice %reduce_sum3A_3 {offsets = [1, 0], sizes = [1, 10240], strides = [1, 1]} : vector<2x10240xf32> to vector<1x10240xf32>
    %squeeze3A = vector.shape_cast %slice3A : vector<1x10240xf32> to vector<10240xf32>
    %max3A = arith.constant 1.000000e+00 : f32
    %max3A_4 = vector.broadcast %max3A : f32 to vector<10240xf32>
    %max3A_5 = arith.maximumf %squeeze3A, %max3A_4 : vector<10240xf32>
    %rsqrt3A = math.rsqrt %max3A_5 : vector<10240xf32>
    %iota3A = tpu.iota {dimensions = array<i32: 0>} : vector<10240x1xi32>
    %lt3A = arith.constant 10000 : i32
    %lt3A_6 = vector.broadcast %lt3A : i32 to vector<10240x1xi32>
    %lt3A_7 = arith.cmpi slt, %iota3A, %lt3A_6 : vector<10240x1xi32>
    %get3A_8 = arith.constant 0 : index
    %get3A_9 = arith.constant 0 : index
    %get3A_10 = arith.constant 0 : index
    %get3A_11 = vector.load %arg0[%get3A_8, %get3A_9, %get3A_10] : memref<2x10240x128xf32, #tpu.memory_space<vmem>>, vector<1x10240x128xf32>
    %get3A_12 = vector.shape_cast %get3A_11 : vector<1x10240x128xf32> to vector<10240x128xf32>
    %get3A_13 = arith.constant 1 : index
    %get3A_14 = arith.constant 0 : index
    %get3A_15 = arith.constant 0 : index
    %get3A_16 = vector.load %arg0[%get3A_13, %get3A_14, %get3A_15] : memref<2x10240x128xf32, #tpu.memory_space<vmem>>, vector<1x10240x128xf32>
    %get3A_17 = vector.shape_cast %get3A_16 : vector<1x10240x128xf32> to vector<10240x128xf32>
    %add3A = arith.addf %get3A_12, %get3A_17 : vector<10240x128xf32>
    %broadcast_in_dim3A = vector.shape_cast %rsqrt3A : vector<10240xf32> to vector<10240x1xf32>
    %mul3A = vector.broadcast %broadcast_in_dim3A : vector<10240x1xf32> to vector<10240x128xf32>
    %mul3A_18 = arith.mulf %add3A, %mul3A : vector<10240x128xf32>
    %get3A_19 = arith.constant 0 : index
    %get3A_20 = arith.constant 0 : index
    %get3A_21 = vector.load %arg3[%get3A_19, %get3A_20] : memref<1x128xf32, #tpu.memory_space<vmem>>, vector<1x128xf32>
    %add3A_22 = vector.broadcast %get3A_21 : vector<1x128xf32> to vector<10240x128xf32>
    %add3A_23 = arith.addf %mul3A_18, %add3A_22 : vector<10240x128xf32>
    %get3A_24 = arith.constant 0 : index
    %get3A_25 = arith.constant 0 : index
    %get3A_26 = vector.load %arg1[%get3A_24, %get3A_25] : memref<10240x128xf32, #tpu.memory_space<vmem>>, vector<10240x128xf32>
    %max3A_27 = arith.constant 0.000000e+00 : f32
    %max3A_28 = vector.broadcast %max3A_27 : f32 to vector<10240x128xf32>
    %max3A_29 = arith.maximumf %add3A_23, %max3A_28 : vector<10240x128xf32>
    %add3A_30 = arith.addf %get3A_26, %max3A_29 : vector<10240x128xf32>
    %jit3A = arith.constant 0.000000e+00 : f32
    %broadcast_in_dim3A_31 = vector.shape_cast %lt3A_7 : vector<10240x1xi1> to vector<10240x1xi1>
    %broadcast_in_dim3A_32 = vector.broadcast %broadcast_in_dim3A_31 : vector<10240x1xi1> to vector<10240x128xi1>
    %broadcast_in_dim3A_33 = vector.broadcast %jit3A : f32 to vector<10240x128xf32>
    %select_n3A = arith.select %broadcast_in_dim3A_32, %add3A_30, %broadcast_in_dim3A_33 : vector<10240x128xi1>, vector<10240x128xf32>
    %get3A_34 = arith.constant 0 : index
    %get3A_35 = arith.constant 0 : index
    %get3A_36 = vector.load %arg4[%get3A_34, %get3A_35] : memref<1x128xf32, #tpu.memory_space<vmem>>, vector<1x128xf32>
    %mul3A_37 = vector.broadcast %get3A_36 : vector<1x128xf32> to vector<10240x128xf32>
    %mul3A_38 = arith.mulf %select_n3A, %mul3A_37 : vector<10240x128xf32>
    %reduce_sum3A_39 = arith.constant dense<0.000000e+00> : vector<10240xf32>
    %reduce_sum3A_40 = vector.multi_reduction <add>, %mul3A_38, %reduce_sum3A_39 [1] : vector<10240x128xf32> to vector<10240xf32>
    %broadcast_in_dim3A_41 = vector.shape_cast %reduce_sum3A_40 : vector<10240xf32> to vector<10240x1xf32>
    %get3A_42 = arith.constant 0 : index
    %get3A_43 = arith.constant 0 : index
    %get3A_44 = vector.load %arg5[%get3A_42, %get3A_43] : memref<1x1xf32, #tpu.memory_space<vmem>>, vector<1x1xf32>
    %get3A_45 = vector.extract %get3A_44[0, 0] : f32 from vector<1x1xf32>
    %add3A_46 = vector.broadcast %get3A_45 : f32 to vector<10240x1xf32>
    %add3A_47 = arith.addf %broadcast_in_dim3A_41, %add3A_46 : vector<10240x1xf32>
    %jit3A_48 = arith.constant -1.000000e+30 : f32
    %broadcast_in_dim3A_49 = vector.broadcast %jit3A_48 : f32 to vector<10240x1xf32>
    %select_n3A_50 = arith.select %lt3A_7, %add3A_47, %broadcast_in_dim3A_49 : vector<10240x1xi1>, vector<10240x1xf32>
    %reduce_max3A = vector.shape_cast %select_n3A_50 : vector<10240x1xf32> to vector<1x10240x1xf32>
    %reduce_max3A_51 = arith.constant dense<0xFF800000> : vector<1xf32>
    %reduce_max3A_52 = vector.multi_reduction <maximumf>, %reduce_max3A, %reduce_max3A_51 [1, 2] : vector<1x10240x1xf32> to vector<1xf32>
    %reduce_max3A_53 = vector.shape_cast %reduce_max3A_52 : vector<1xf32> to vector<1x1x1xf32>
    %reduce_max3A_54 = vector.extract %reduce_max3A_53[0, 0, 0] : f32 from vector<1x1x1xf32>
    %sub3A = vector.broadcast %reduce_max3A_54 : f32 to vector<10240x1xf32>
    %sub3A_55 = arith.subf %select_n3A_50, %sub3A : vector<10240x1xf32>
    %exp3A = math.exp %sub3A_55 : vector<10240x1xf32>
    %mul3A_56 = vector.broadcast %exp3A : vector<10240x1xf32> to vector<10240x128xf32>
    %mul3A_57 = arith.mulf %mul3A_56, %select_n3A : vector<10240x128xf32>
    %reduce_sum3A_58 = arith.constant dense<0.000000e+00> : vector<128xf32>
    %reduce_sum3A_59 = vector.multi_reduction <add>, %mul3A_57, %reduce_sum3A_58 [0] : vector<10240x128xf32> to vector<128xf32>
    %broadcast_in_dim3A_60 = vector.shape_cast %reduce_sum3A_59 : vector<128xf32> to vector<1x128xf32>
    %reduce_sum3A_61 = vector.shape_cast %exp3A : vector<10240x1xf32> to vector<1x10240x1xf32>
    %reduce_sum3A_62 = arith.constant dense<0.000000e+00> : vector<1xf32>
    %reduce_sum3A_63 = vector.multi_reduction <add>, %reduce_sum3A_61, %reduce_sum3A_62 [1, 2] : vector<1x10240x1xf32> to vector<1xf32>
    %reduce_sum3A_64 = vector.shape_cast %reduce_sum3A_63 : vector<1xf32> to vector<1x1x1xf32>
    %reduce_sum3A_65 = vector.extract %reduce_sum3A_64[0, 0, 0] : f32 from vector<1x1x1xf32>
    %div3A = vector.broadcast %reduce_sum3A_65 : f32 to vector<1x128xf32>
    %div3A_66 = arith.divf %broadcast_in_dim3A_60, %div3A : vector<1x128xf32>
    %swap3A = arith.constant 0 : index
    %swap3A_67 = arith.constant 0 : index
    %swap3A_68 = vector.load %arg6[%swap3A, %swap3A_67] : memref<1x128xf32, #tpu.memory_space<vmem>>, vector<1x128xf32>
    tpu.vector_store %arg6[%swap3A, %swap3A_67], %div3A_66 {strides = array<i32>} : memref<1x128xf32, #tpu.memory_space<vmem>>, vector<1x128xf32>,
    return
  }
}

</mosaic_0001>

<sc_bundles>
// kernel: kernel.11.cloned.1.call-start
scs
__scs_entry_jumppad:
0x0: {  	(pc) =	sbr.rel $0x88, $3  }
0x1: {  	(tag) =	ssettag $0x0;
	lr =	simm.s32 $0x1  }
0x2: {  	[smem:$0x3F97] =	sst lr;
	_ =	strace $0xD0000000  }
0x3: {  	_ = 	snop  }
0x4: {  	_ = 	snop  }
0x5: {  	_ = 	snop  }
0x6: {  	_ = 	snop  }
0x7: {  	_ = 	snop  }
__scs_overlays_trampoline_lowered:
0x8: {  	[smem:$0x3FA6] =	sst s0  }
0x9: {  	[smem:$0x3FA7] =	sst s1  }
0xa: {  	[smem:$0x3FA8] =	sst s2  }
0xb: {  	[smem:$0x3FA9] =	sst s3  }
0xc: {  	[smem:$0x3FAA] =	sst s4  }
0xd: {  	[smem:$0x3FAB] =	sst s5  }
0xe: {  	[smem:$0x3FAC] =	sst s6  }
0xf: {  	[smem:$0x3FAD] =	sst s7  }
0x10: {  	[smem:$0x3FAE] =	sst s8  }
0x11: {  	[smem:$0x3FAF] =	sst s9;
	s0 =	simm.s32 @!p0 $0x0  }
0x12: {  	s1 =	sld [smem:$0x3F95];
	s0 =	simm.s32 @p0 $0x1  }
0x13: {  	[smem:$0x3FB0] =	sst s0;
	s0 =	simm.s32 @!p1 $0x0  }
0x14: {  	s2 =	sld [smem:$0x3F94];
	s0 =	simm.s32 @p1 $0x1  }
0x15: {  	[smem:$0x3FB1] =	sst s0;
	s0 =	simm.s32 @!p2 $0x0  }
0x16: {  	s3 =	sld [smem:$0x3FDB];
	s0 =	simm.s32 @p2 $0x1  }
0x17: {  	s4 =	simm.s32 $0x1BF5;
	[smem:$0x3FB3] =	sst s0  }
0x18: {  	s0 =	sld [smem:$0x3F96];
	_ =	swait.ge [sflag:s4], $0x0  }
0x19: {  	s7 =	sld [smem:$0x3F97]  }
0x1a: {  	s8 =	sadd.s32 $0xFFFFE003, lr  }
0x1b: {  	s9 =	sadd.s32 $0xFFFFFEF7, lr;
	s5 =	simm.s32 $0xFFFFFFFF;
	p2 =	slt.u32 s8, $0xFFFFF086  }
0x1c: {  	p1 =	slt.u32 s9, $0xF7A;
	s5 =	simm.s32 @!p2 $0x0  }
0x1d: {  	s5 =	simm.s32 @p1 $0x1;
	p0 =	seq.s32 s7, s2  }
0x1e: {  	s7 =	smul.u32 @!p0 $0xF7A, s2;
	p2 =	seq.s32 @!p0 s5, $0x0  }
0x1f: {  	s9 =	smul.u32 $0xF7A, s1;
	s8 =	simm.s32 @!p0 $0x1BF5;
	p2 =	por !p2, p0  }
0x20: {  	[sflag:s8] =	ssyncset.s32 @!p0 $0xFFFFF086;
	s6 =	sadd.s32 @!p0 s3, s7;
	s7 =	simm.s32 @!p0 $0x108  }
0x21: {  	s3 =	sadd.s32 s3, s9;
	s6 =	sadd.s32 @!p0 $0x88, s6;
	s7 =	simm.s32 @p2 $0x1082  }
0x22: {  	[simem:s7], [sflag:s8] =	dma.local @!p0 [hbm:s6], $0xF7A  }
0x23: {  	s9 =	sor.u32 $0xD0000000, s2;
	s6 =	simm.s32 $0x108;
	_ =	swait.ge @!p0 [sflag:s8], $0x0  }
0x24: {  	s3 =	sadd.s32 $0x88, s3;
	s6 =	simm.s32 @!p1 $0x1082;
	[sflag:s4] =	ssyncset.s32 $0xFFFFF086  }
0x25: {  	[simem:s6], [sflag:s4] =	dma.local [hbm:s3], $0xF7A  }
0x26: {  	[smem:$0x3F97] =	sst s1;
	(tag) =	ssettag s2;
	_ =	strace s9  }
0x27: {  	s1 =	sld [smem:$0x3FA7]  }
0x28: {  	s2 =	sld [smem:$0x3FA8]  }
0x29: {  	s4 =	sld [smem:$0x3FAA]  }
0x2a: {  	p0 =	seq.s32 s5, $0x0;
	s5 =	sld [smem:$0x3FAB]  }
0x2b: {  	s6 =	sld [smem:$0x3FAC]  }
0x2c: {  	s7 =	sld [smem:$0x3FAD]  }
0x2d: {  	s3 =	simm.s32 $0x108;
	s8 =	sld [smem:$0x3FAE]  }
0x2e: {  	s3 =	simm.s32 @!p0 $0x1082;
	s9 =	sld [smem:$0x3FAF]  }
0x2f: {  	lr =	sadd.s32 s0, s3;
	s0 =	sld [smem:$0x3FA6]  }
0x30: {  	s3 =	sld [smem:$0x3FA9]  }
0x31: {  	[smem:$0x3FB2] =	sst s10  }
0x32: {  	s10 =	sld [smem:$0x3FB0];
	_ =	sdelay $0x3  }
0x33: {  	p0 =	seq.s32 s10, $0x1;
	s10 =	sld [smem:$0x3FB2];
	_ =	sdelay $0x3  }
0x34: {  	[smem:$0x3FB2] =	sst s10  }
0x35: {  	s10 =	sld [smem:$0x3FB1];
	_ =	sdelay $0x3  }
0x36: {  	p1 =	seq.s32 s10, $0x1;
	s10 =	sld [smem:$0x3FB2];
	_ =	sdelay $0x3  }
0x37: {  	[smem:$0x3FB2] =	sst s10  }
0x38: {  	s10 =	sld [smem:$0x3FB3]  }
0x39: {  	_ = 	snop;
	(pc) =	sbr.ind lr, $3  }
0x3a: {  	_ = 	snop  }
0x3b: {  	_ = 	snop  }
0x3c: {  	p2 =	seq.s32 s10, $0x1;
	s10 =	sld [smem:$0x3FB2]  }
0x3d: {  	_ =	shalt  }
0x3e: {  	_ =	shalt  }
0x3f: {  	_ =	shalt  }
0x40: {  	_ =	shalt  }
0x41: {  	_ =	shalt  }
0x42: {  	_ =	shalt  }
0x43: {  	_ =	shalt  }
0x44: {  	_ =	shalt  }
0x45: {  	_ =	shalt  }
0x46: {  	_ =	shalt  }
0x47: {  	_ =	shalt  }
0x48: {  	_ =	shalt  }
0x49: {  	_ =	shalt  }
0x4a: {  	_ =	shalt  }
0x4b: {  	_ =	shalt  }
0x4c: {  	_ =	shalt  }
0x4d: {  	_ =	shalt  }
0x4e: {  	_ =	shalt  }
0x4f: {  	_ =	shalt  }
0x50: {  	_ =	shalt  }
0x51: {  	_ =	shalt  }
0x52: {  	_ =	shalt  }
0x53: {  	_ =	shalt  }
0x54: {  	_ =	shalt  }
0x55: {  	_ =	shalt  }
0x56: {  	_ =	shalt  }
0x57: {  	_ =	shalt  }
0x58: {  	_ =	shalt  }
0x59: {  	_ =	shalt  }
0x5a: {  	_ =	shalt  }
0x5b: {  	_ =	shalt  }
0x5c: {  	_ =	shalt  }
0x5d: {  	_ =	shalt  }
0x5e: {  	_ =	shalt  }
0x5f: {  	_ =	shalt  }
0x60: {  	_ =	shalt  }
0x61: {  	_ =	shalt  }
0x62: {  	_ =	shalt  }
0x63: {  	_ =	shalt  }
0x64: {  	_ =	shalt  }
0x65: {  	_ =	shalt  }
0x66: {  	_ =	shalt  }
0x67: {  	_ =	shalt  }
0x68: {  	_ =	shalt  }
0x69: {  	_ =	shalt  }
0x6a: {  	_ =	shalt  }
0x6b: {  	_ =	shalt  }
0x6c: {  	_ =	shalt  }
0x6d: {  	_ =	shalt  }
0x6e: {  	_ =	shalt  }
0x6f: {  	_ =	shalt  }
0x70: {  	_ =	shalt  }
0x71: {  	_ =	shalt  }
0x72: {  	_ =	shalt  }
0x73: {  	_ =	shalt  }
0x74: {  	_ =	shalt  }
0x75: {  	_ =	shalt  }
0x76: {  	_ =	shalt  }
0x77: {  	_ =	shalt  }
0x78: {  	_ =	shalt  }
0x79: {  	_ =	shalt  }
0x7a: {  	_ =	shalt  }
0x7b: {  	_ =	shalt  }
0x7c: {  	_ =	shalt  }
0x7d: {  	_ =	shalt  }
0x7e: {  	_ =	shalt  }
0x7f: {  	_ =	shalt  }
0x80: {  	_ =	shalt  }
0x81: {  	_ =	shalt  }
0x82: {  	_ =	shalt  }
0x83: {  	_ =	shalt  }
0x84: {  	_ =	shalt  }
0x85: {  	_ =	shalt  }
0x86: {  	_ =	shalt  }
0x87: {  	_ =	shalt  }
.Lfunc_end0:
.L_simem_size_0:
called_computation.1_lowered:
.L_overlay_start_0:
0x88: {  	s2 =	sld [smem:$0x3FD9]  }
0x89: {  	s3 =	sld [smem:$0x3FFE];
	_ =	sdelay $0x1  }
0x8a: {  	s1 =	srdreg.scid  }
0x8b: {  	s0 =	sand.u32 $0x1, s1  }
0x8c: {  	s16 =	sshll.u32 s0, $0xA;
	s2 =	sadd.s32 s3, s2  }
0x8d: {  	s2 =	sadd.s32 s2, s16  }
0x8e: {  	[smem:$0x3FBE] =	sst s2  }
0x8f: {  	_ = 	snop  }
0x90: {  	(tm) =	ssettm $0x1  }
0x91: {  	s17 =	sld [smem:$0x3FFB];
	_ =	sdelay $0x3  }
0x92: {  	_ =	strace s17  }
0x93: {  	s2 =	sld [smem:$0x3FFC];
	_ =	sdelay $0x3  }
0x94: {  	_ =	strace s2  }
0x95: {  	s2 =	sld [smem:$0x3FFD];
	_ =	sdelay $0x3  }
0x96: {  	_ =	strace s2  }
0x97: {  	_ =	strace $0x8FFFFFFF  }
0x98: {  	s18 =	sld [smem:$0x3FDB];
	_ =	sdelay $0x1  }
0x99: {  	s19 =	simm.s32 $_scs_section_size  }
0x9a: {  	s4 =	simm.s32 $_size__tile_overlayer_lowered;
	s5 =	simm.s32 $_tile_overlayer_lowered  }
0x9b: {  	s22 =	simm.s32 $0x1BFF;
	s21 =	sshll.u32 s5, $0x1;
	s2 =	sadd.s32 s19, s18  }
0x9c: {  	s6 =	simm.s32 $0x0;
	s20 =	sshll.u32 s4, $0x1;
	s4 =	sadd.s32 s21, s2  }
0x9d: {  	[timem:s6], [sflag:s22] =	dma.local [hbm:s4], s20  }
0x9e: {  	_ =	swait.ge [sflag:s22], s20  }
0x9f: {  	s3 =	ssub.s32 $0x0, s20;
	[sflag:s22] =	ssyncset.done $0x0  }
0xa0: {  	[sflag:s22] =	ssyncadd.s32 s3;
	_ =	sdelay $0x1  }
0xa1: {  	s23 =	simm.s32 $0x1B8B  }
0xa2: {  	_ =	swait.ge [sflag:s23], $0x1  }
0xa3: {  	[sflag:s23] =	ssyncset.done $0x0  }
0xa4: {  	s25 =	simm.s32 $0x1B8E;
	s24 =	sld [smem:$0x3FFE];
	[sflag:s23] =	ssyncadd.s32 $0xFFFFFFFF  }
0xa5: {  	s26 =	simm.s32 $execute0_lowered;
	[smem:$0x3FD2] =	sst s25  }
0xa6: {  	s4 =	sshll.u32 s26, $0x1;
	_ =	strace $0x80000049;
	[dreg:$0x1] =	wrdreg $0xFFFFFFFF  }
0xa7: {  	s28 =	simm.s32 $_size_execute0_lowered;
	s2 =	sadd.s32 s2, s4;
	[dreg:$0x0] =	wrdreg $0x0  }
0xa8: {  	s4 =	sshll.u32 s28, $0x1;
	[dreg:$0x2] =	wrdreg s2  }
0xa9: {  	[dreg:$0x3] =	wrdreg s4  }
0xaa: {  	[dreg:$0x4] =	wrdreg $0xC0  }
0xab: {  	_ =	task [dreg:s6], $0x5FFFF  }
0xac: {  	[dreg:$0x1] =	wrdreg $0xFFFFFFFF  }
0xad: {  	[dreg:$0x0] =	wrdreg $0x60  }
0xae: {  	[dreg:$0x2] =	wrdreg s24  }
0xaf: {  	[dreg:$0x3] =	wrdreg $0x98000  }
0xb0: {  	[dreg:$0x4] =	wrdreg $0x9  }
0xb1: {  	_ =	task.clear_ibuf [dreg:s6], $0x5FFFF;
	_ =	strace $0x90000049  }
0xb2: {  	s29 =	simm.s32 $0x9;
	_ =	strace $0x8000004B  }
0xb3: {  	_ =	swait.ge [sflag:s29], $0x1  }
0xb4: {  	[sflag:s29] =	ssyncadd.s32 $0xFFFFFFFF  }
0xb5: {  	_ =	strace $0x9000004B  }
0xb6: {  	_ =	sfence  }
0xb7: {  	s30 =	sld [smem:$0x0];
	_ =	sdelay $0x2  }
0xb8: {  	s31 =	sshll.u32 s1, $0xD;
	s1 =	sshrl.u32 s1, $0x2  }
0xb9: {  	s3 =	sand.u32 $0x4000, s31;
	s1 =	sadd.s32 s1, s30  }
0xba: {  	s0 =	sor.u32 s3, s0;
	s1 =	sshll.u32 s1, $0x11  }
0xbb: {  	s0 =	sor.u32 s1, s0  }
0xbc: {  	s0 =	sadd.s32 $0x8F2B, s0  }
0xbd: {  	[sflag:s0] =	ssyncadd.remote.s32 $0x1  }
0xbe: {  	_ =	sfence.sel $0xFFFF  }
0xbf: {  	[dreg:$0x0] =	wrdreg $0xFFFFFFFF;
	(pc) =	sbr.abs _section_cstart, $3  }
0xc0: {  	[dreg:$0x1] =	wrdreg $0xFFFFFFFF  }
0xc1: {  	_ =	task.clear_ibuf [dreg:s6], $0x2FFFF;
	_ =	strace $0x9FFFFFFF  }
0xc2: {  	(tm) =	ssettm $0x7FFFFFFF  }
0xc3: {  	_ =	shalt  }
tec
execute0_lowered:
.L_overlay_start_1:
0x0: {  	(tag) =	ssettag $0x1  }
0x1: {  	s5 =	rddreg [dreg:$0x0];
	s0 =	srdreg.scid  }
0x2: {  	s2 =	rddreg [dreg:$0x1];
	s1 =	stileid.u32  }
0x3: {  	s3 =	simm.s32 $0x0;
	s21 =	simm.s32 $0x5800;
	s22 =	simm.s32 $0x80  }
0x4: {  	s12 =	sand.u32 $0x1, s0;
	s0 =	rddreg [dreg:$0x2];
	s7 =	smul.u32 $0x2C00, s1  }
0x5: {  	s23 =	simm.s32 $0x0;
	[smem:$0x7FF] =	sst s3;
	s8 =	smul.u32 $0x50000, s1  }
0x6: {  	s4 =	sadd.s32 $0x1E00, s5;
	s13 =	smul.u32 $0x14000, s1;
	s17 =	sadd.s32 $0x3FE00, s5  }
0x7: {  	s6 =	smul.u32 $0x2C000, s12;
	_ =	strace $0x8000004A;
	s30 =	ssub.s32 $0x2, s12  }
0x8: {  	s20 =	smul.u32 $0x140000, s12;
	p0 =	seq.s32 s12, $0x0;
	s12 =	simm.s32 $0x4C  }
0x9: {  	s9 =	sshrl.u32 s30, $0x1;
	s31 =	sshrl.u32 s8, $0x2;
	s14 =	sadd.s32 $0x4000, s13  }
0xa: {  	s15 =	sadd.s32 $0x8000, s13;
	s16 =	sadd.s32 $0xC000, s13;
	s19 =	sadd.s32 $0x10000, s13  }
0xb: {  	s12 =	simm.s32 @!p0 $0x51;
	s6 =	sadd.s32 s7, s6;
	s18 =	ssub.s32 s30, s9  }
0xc: {  	s7 =	sadd.s32 s31, s2;
	s8 =	sadd.s32 s14, s2;
	s9 =	sadd.s32 s15, s2  }
0xd: {  	s10 =	sadd.s32 s16, s2;
	s11 =	sadd.s32 s19, s2;
	s13 =	sadd.s32 s13, s20  }
0xe: {  	s14 =	sadd.s32 s20, s14;
	s15 =	sadd.s32 s20, s15;
	s16 =	sadd.s32 s20, s16  }
0xf: {  	s19 =	sadd.s32 s20, s19;
	s20 =	simm.s32 $0x2C00;
	s6 =	sshrl.u32 s6, $0x3  }
0x10: {  	s13 =	sshrl.u32 s13, $0x3;
	s14 =	sshrl.u32 s14, $0x3;
	s15 =	sshrl.u32 s15, $0x3  }
0x11: {  	s16 =	sshrl.u32 s16, $0x3;
	s19 =	sshrl.u32 s19, $0x3;
	s18 =	smax.u32 s18, $0x1  }
0x12: {  	s6 =	sadd.s32 s6, s5;
	s13 =	sadd.s32 s17, s13;
	s14 =	sadd.s32 s17, s14  }
0x13: {  	s15 =	sadd.s32 s17, s15;
	s16 =	sadd.s32 s17, s16;
	s17 =	sadd.s32 s17, s19  }
0x14: {  	v0 =	vimm.f32 $0.0e+00;
	s19 =	simm.s32 $0x1;
	s5 =	sadd.s32 $0x29E00, s6;
	s6 =	sadd.s32 $0x34E00, s6  }
.LBB2_1:
0x15: {  	[tilespmem:s3], [sflag:$0x1] =	stream.linear.gather [hbm4b:s5+s3], $0x2880, $0x38;
	[tilespmem:$0x1D800] =	vst v63  }
0x16: {  	_ =	swait.ge [sflag:s19], $0x2880  }
0x17: {  	[sflag:s19] =	ssyncset.done $0x0  }
0x18: {  	[sflag:s19] =	ssyncadd.s32 $0xFFFFD780  }
0x19: {  	[tilespmem:s20], [sflag:$0x1] =	stream.linear.gather [hbm4b:s6+s3], $0x2880, $0x38;
	[tilespmem:$0x1D800] =	vst v63  }
0x1a: {  	_ =	swait.ge [sflag:s19], $0x2880  }
0x1b: {  	[sflag:s19] =	ssyncset.done $0x0  }
0x1c: {  	s24 =	simm.s32 $0x0;
	s25 =	simm.s32 $0x200;
	[sflag:s19] =	ssyncadd.s32 $0xFFFFD780  }
.LBB2_2:
0x1d: {  	p0 =	sne.s32 s25, $0xFE00;
	[tilespmem:s24+$0x5870] =	vst v0  }
0x1e: {  	[tilespmem:s24+$0x5800] =	vst v0  }
0x1f: {  	[tilespmem:s24+$0x5810] =	vst v0  }
.Ltmp0:
0x20: {  	[tilespmem:s24+$0x5820] =	vst v0;
	(pc) =	sbr.rel @p0 .LBB2_2-.Ltmp0, $4  }
0x21: {  	[tilespmem:s24+$0x5830] =	vst v0  }
0x22: {  	[tilespmem:s24+$0x5840] =	vst v0  }
0x23: {  	[tilespmem:s24+$0x5850] =	vst v0  }
0x24: {  	[tilespmem:s24+$0x5860] =	vst v0;
	s24 =	sshra.s32 s25, $0x2;
	s25 =	sadd.s32 $0x200, s25  }
0x25: {  	[tilespmem:s24+$0x5870] =	vst v0  }
0x26: {  	[tilespmem:s24+$0x5800] =	vst v0  }
0x27: {  	[tilespmem:s24+$0x5810] =	vst v0  }
0x28: {  	[tilespmem:s24+$0x5820] =	vst v0  }
0x29: {  	[tilespmem:s24+$0x5830] =	vst v0  }
0x2a: {  	[tilespmem:s24+$0x5840] =	vst v0  }
0x2b: {  	[tilespmem:s24+$0x5850] =	vst v0  }
0x2c: {  	[tilespmem:s24+$0x5860] =	vst v0  }
0x2d: {  	[spmem:s7] =	stream.linear.scatter [tilespmem:s21], [sflag:$0x1], $0x4000, $0x38;
	[tilespmem:$0x1D800] =	vst v63  }
0x2e: {  	_ =	swait.ge [sflag:s19], $0x4000  }
0x2f: {  	[sflag:s19] =	ssyncset.done $0x0  }
0x30: {  	[sflag:s19] =	ssyncadd.s32 $0xFFFFC000  }
0x31: {  	[spmem:s8] =	stream.linear.scatter [tilespmem:s21], [sflag:$0x1], $0x4000, $0x38;
	[tilespmem:$0x1D800] =	vst v63  }
0x32: {  	_ =	swait.ge [sflag:s19], $0x4000  }
0x33: {  	[sflag:s19] =	ssyncset.done $0x0  }
0x34: {  	[sflag:s19] =	ssyncadd.s32 $0xFFFFC000  }
0x35: {  	[spmem:s9] =	stream.linear.scatter [tilespmem:s21], [sflag:$0x1], $0x4000, $0x38;
	[tilespmem:$0x1D800] =	vst v63  }
0x36: {  	_ =	swait.ge [sflag:s19], $0x4000  }
0x37: {  	[sflag:s19] =	ssyncset.done $0x0  }
0x38: {  	[sflag:s19] =	ssyncadd.s32 $0xFFFFC000  }
0x39: {  	[spmem:s10] =	stream.linear.scatter [tilespmem:s21], [sflag:$0x1], $0x4000, $0x38;
	[tilespmem:$0x1D800] =	vst v63  }
0x3a: {  	_ =	swait.ge [sflag:s19], $0x4000  }
0x3b: {  	[sflag:s19] =	ssyncset.done $0x0  }
0x3c: {  	[sflag:s19] =	ssyncadd.s32 $0xFFFFC000  }
0x3d: {  	[spmem:s11] =	stream.linear.scatter [tilespmem:s21], [sflag:$0x1], $0x4000, $0x38;
	[tilespmem:$0x1D800] =	vst v63  }
0x3e: {  	_ =	swait.ge [sflag:s19], $0x4000  }
0x3f: {  	[sflag:s19] =	ssyncset.done $0x0  }
0x40: {  	[sflag:s19] =	ssyncadd.s32 $0xFFFFC000  }
0x41: {  	s24 =	simm.s32 $0x0;
	[bflag:$0x0] =	sbarrier.arrive $0xFFFF  }
0x42: {  	[tilespmem:s21], [sflag:$0x1] =	stream.indirect.gather [hbm4b:s4+s22], $0x80, s24, s22, $0xb8;
	[tilespmem:$0x1D800] =	vst v63  }
0x43: {  	p0 =	sne.s32 s12, $0x1;
	_ =	swait.ge [sflag:s19], $0x4000  }
.Ltmp1:
0x44: {  	[sflag:s19] =	ssyncset.done $0x0;
	(pc) =	sbr.rel @!p0 .LBB2_5-.Ltmp1, $4  }
0x45: {  	s25 =	simm.s32 $0x2C00;
	[sflag:s19] =	ssyncadd.s32 $0xFFFFC000  }
0x46: {  	[spmem:s2] =	stream.indirect.scatter.add.f32 [tilespmem:s21], [sflag:$0x1], $0x80, s25, s22, $0xb8;
	[tilespmem:$0x1D800] =	vst v63  }
0x47: {  	_ =	swait.ge [sflag:s19], $0x4000  }
0x48: {  	s26 =	sadd.s32 $0xFFFFFFFF, s12;
	[sflag:s19] =	ssyncset.done $0x0  }
.LBB2_4:
0x49: {  	[sflag:s19] =	ssyncadd.s32 $0xFFFFC000;
	s24 =	sadd.s32 $0x80, s24;
	s25 =	sadd.s32 $0x80, s25  }
0x4a: {  	[tilespmem:s21], [sflag:$0x1] =	stream.indirect.gather [hbm4b:s4+s22], $0x80, s24, s22, $0xb8;
	[tilespmem:$0x1D800] =	vst v63  }
0x4b: {  	p0 =	sne.s32 s26, $0x1;
	s26 =	sadd.s32 $0xFFFFFFFF, s26;
	_ =	swait.ge [sflag:s19], $0x4000  }
.Ltmp2:
0x4c: {  	[sflag:s19] =	ssyncset.done $0x0;
	(pc) =	sbr.rel @p0 .LBB2_4-.Ltmp2, $4  }
0x4d: {  	[sflag:s19] =	ssyncadd.s32 $0xFFFFC000  }
0x4e: {  	[spmem:s2] =	stream.indirect.scatter.add.f32 [tilespmem:s21], [sflag:$0x1], $0x80, s25, s22, $0xb8;
	[tilespmem:$0x1D800] =	vst v63  }
0x4f: {  	_ =	swait.ge [sflag:s19], $0x4000  }
0x50: {  	[sflag:s19] =	ssyncset.done $0x0  }
.LBB2_5:
0x51: {  	[sflag:s19] =	ssyncadd.s32 $0xFFFFC000;
	s24 =	sshll.u32 s1, $0x6  }
0x52: {  	s25 =	sshrl.u32 s7, $0x3;
	[bflag:$0x0] =	sbarrier.arrive $0xFFFF;
	s24 =	sor.u32 $0x1C01, s24  }
0x53: {  	[hbm:s13], [sflag:s24] =	dma.local [spmem:s25], $0x800  }
0x54: {  	_ =	swait.ge [sflag:s19], $0x800  }
0x55: {  	[sflag:s19] =	ssyncset.done $0x0  }
0x56: {  	s28 =	sshrl.u32 s8, $0x3;
	[sflag:s19] =	ssyncadd.s32 $0xFFFFF800  }
0x57: {  	[hbm:s14], [sflag:s24] =	dma.local [spmem:s28], $0x800  }
0x58: {  	_ =	swait.ge [sflag:s19], $0x800  }
0x59: {  	[sflag:s19] =	ssyncset.done $0x0  }
0x5a: {  	s29 =	sshrl.u32 s9, $0x3;
	[sflag:s19] =	ssyncadd.s32 $0xFFFFF800  }
0x5b: {  	[hbm:s15], [sflag:s24] =	dma.local [spmem:s29], $0x800  }
0x5c: {  	_ =	swait.ge [sflag:s19], $0x800  }
0x5d: {  	[sflag:s19] =	ssyncset.done $0x0  }
0x5e: {  	s30 =	sshrl.u32 s10, $0x3;
	[sflag:s19] =	ssyncadd.s32 $0xFFFFF800  }
0x5f: {  	[hbm:s16], [sflag:s24] =	dma.local [spmem:s30], $0x800  }
0x60: {  	s23 =	sadd.s32 $0x1, s23;
	_ =	swait.ge [sflag:s19], $0x800  }
0x61: {  	p0 =	sne.s32 s23, s18;
	[sflag:s19] =	ssyncset.done $0x0  }
.Ltmp3:
0x62: {  	s31 =	sshrl.u32 s11, $0x3;
	[sflag:s19] =	ssyncadd.s32 $0xFFFFF800;
	(pc) =	sbr.rel @p0 .LBB2_1-.Ltmp3, $4  }
0x63: {  	[hbm:s17], [sflag:s24] =	dma.local [spmem:s31], $0x800  }
0x64: {  	_ =	swait.ge [sflag:s19], $0x800  }
0x65: {  	[sflag:s19] =	ssyncset.done $0x0  }
0x66: {  	[sflag:s19] =	ssyncadd.s32 $0xFFFFF800  }
0x67: {  	_ =	sfence.sel $0x180000  }
0x68: {  	[bflag:$0x0] =	sbarrier.arrive $0xFFFF  }
0x69: {  	p0 =	sne.s32 s1, $0x0;
	_ =	strace $0x9000004A  }
0x6a: {  	s0 =	sadd.s32 @!p0 $0x100000, s0;
	[bflag:$0x2] =	sbarrier.arrive $0xFFFF  }
0x6b: {  	[sflag:s0] =	ssyncadd.tile.s32 @!p0 $0x1;
	_ =	shalt  }
.Lfunc_end2:
_tile_overlayer_lowered:
.L_overlay_start_2:
0x6c: {  	(tag) =	ssettag $0x2  }
0x6d: {  	s0 =	rddreg [dreg:$0x0];
	s2 =	stileid.u32  }
0x6e: {  	s1 =	rddreg [dreg:$0x1];
	p0 =	sne.s32 s2, $0x0  }
0x6f: {  	s3 =	rddreg [dreg:$0x2];
	[bflag:$0x3] =	sbarrier.arrive $0xFFFF;
	s2 =	simm.s32 @!p0 $0x1C01  }
0x70: {  	[timem:s3], [sflag:s2] =	dma.local @!p0 [hbm:s0], s1  }
0x71: {  	s0 =	simm.s32 @!p0 $0x1  }
0x72: {  	_ =	swait.ge @!p0 [sflag:s0], s1  }
0x73: {  	s1 =	ssub.s32 @!p0 $0x0, s1;
	[sflag:s0] =	ssyncset.done @!p0 $0x0  }
0x74: {  	[sflag:s0] =	ssyncadd.s32 @!p0 s1  }
0x75: {  	[bflag:$0x3] =	sbarrier.arrive $0xFFFF  }
0x76: {  	_ =	shalt  }

// kernel: kernel.14.cloned.1.call-start
scs
__scs_entry_jumppad:
0x0: {  	(pc) =	sbr.rel $0x88, $3  }
0x1: {  	(tag) =	ssettag $0x0;
	lr =	simm.s32 $0x1  }
0x2: {  	[smem:$0x3F97] =	sst lr;
	_ =	strace $0xD0000000  }
0x3: {  	_ = 	snop  }
0x4: {  	_ = 	snop  }
0x5: {  	_ = 	snop  }
0x6: {  	_ = 	snop  }
0x7: {  	_ = 	snop  }
__scs_overlays_trampoline_lowered:
0x8: {  	[smem:$0x3FA6] =	sst s0  }
0x9: {  	[smem:$0x3FA7] =	sst s1  }
0xa: {  	[smem:$0x3FA8] =	sst s2  }
0xb: {  	[smem:$0x3FA9] =	sst s3  }
0xc: {  	[smem:$0x3FAA] =	sst s4  }
0xd: {  	[smem:$0x3FAB] =	sst s5  }
0xe: {  	[smem:$0x3FAC] =	sst s6  }
0xf: {  	[smem:$0x3FAD] =	sst s7  }
0x10: {  	[smem:$0x3FAE] =	sst s8  }
0x11: {  	[smem:$0x3FAF] =	sst s9;
	s0 =	simm.s32 @!p0 $0x0  }
0x12: {  	s1 =	sld [smem:$0x3F95];
	s0 =	simm.s32 @p0 $0x1  }
0x13: {  	[smem:$0x3FB0] =	sst s0;
	s0 =	simm.s32 @!p1 $0x0  }
0x14: {  	s2 =	sld [smem:$0x3F94];
	s0 =	simm.s32 @p1 $0x1  }
0x15: {  	[smem:$0x3FB1] =	sst s0;
	s0 =	simm.s32 @!p2 $0x0  }
0x16: {  	s3 =	sld [smem:$0x3FDB];
	s0 =	simm.s32 @p2 $0x1  }
0x17: {  	s4 =	simm.s32 $0x1BF5;
	[smem:$0x3FB3] =	sst s0  }
0x18: {  	s0 =	sld [smem:$0x3F96];
	_ =	swait.ge [sflag:s4], $0x0  }
0x19: {  	s7 =	sld [smem:$0x3F97]  }
0x1a: {  	s8 =	sadd.s32 $0xFFFFE003, lr  }
0x1b: {  	s9 =	sadd.s32 $0xFFFFFEF7, lr;
	s5 =	simm.s32 $0xFFFFFFFF;
	p2 =	slt.u32 s8, $0xFFFFF086  }
0x1c: {  	p1 =	slt.u32 s9, $0xF7A;
	s5 =	simm.s32 @!p2 $0x0  }
0x1d: {  	s5 =	simm.s32 @p1 $0x1;
	p0 =	seq.s32 s7, s2  }
0x1e: {  	s7 =	smul.u32 @!p0 $0xF7A, s2;
	p2 =	seq.s32 @!p0 s5, $0x0  }
0x1f: {  	s9 =	smul.u32 $0xF7A, s1;
	s8 =	simm.s32 @!p0 $0x1BF5;
	p2 =	por !p2, p0  }
0x20: {  	[sflag:s8] =	ssyncset.s32 @!p0 $0xFFFFF086;
	s6 =	sadd.s32 @!p0 s3, s7;
	s7 =	simm.s32 @!p0 $0x108  }
0x21: {  	s3 =	sadd.s32 s3, s9;
	s6 =	sadd.s32 @!p0 $0x88, s6;
	s7 =	simm.s32 @p2 $0x1082  }
0x22: {  	[simem:s7], [sflag:s8] =	dma.local @!p0 [hbm:s6], $0xF7A  }
0x23: {  	s9 =	sor.u32 $0xD0000000, s2;
	s6 =	simm.s32 $0x108;
	_ =	swait.ge @!p0 [sflag:s8], $0x0  }
0x24: {  	s3 =	sadd.s32 $0x88, s3;
	s6 =	simm.s32 @!p1 $0x1082;
	[sflag:s4] =	ssyncset.s32 $0xFFFFF086  }
0x25: {  	[simem:s6], [sflag:s4] =	dma.local [hbm:s3], $0xF7A  }
0x26: {  	[smem:$0x3F97] =	sst s1;
	(tag) =	ssettag s2;
	_ =	strace s9  }
0x27: {  	s1 =	sld [smem:$0x3FA7]  }
0x28: {  	s2 =	sld [smem:$0x3FA8]  }
0x29: {  	s4 =	sld [smem:$0x3FAA]  }
0x2a: {  	p0 =	seq.s32 s5, $0x0;
	s5 =	sld [smem:$0x3FAB]  }
0x2b: {  	s6 =	sld [smem:$0x3FAC]  }
0x2c: {  	s7 =	sld [smem:$0x3FAD]  }
0x2d: {  	s3 =	simm.s32 $0x108;
	s8 =	sld [smem:$0x3FAE]  }
0x2e: {  	s3 =	simm.s32 @!p0 $0x1082;
	s9 =	sld [smem:$0x3FAF]  }
0x2f: {  	lr =	sadd.s32 s0, s3;
	s0 =	sld [smem:$0x3FA6]  }
0x30: {  	s3 =	sld [smem:$0x3FA9]  }
0x31: {  	[smem:$0x3FB2] =	sst s10  }
0x32: {  	s10 =	sld [smem:$0x3FB0];
	_ =	sdelay $0x3  }
0x33: {  	p0 =	seq.s32 s10, $0x1;
	s10 =	sld [smem:$0x3FB2];
	_ =	sdelay $0x3  }
0x34: {  	[smem:$0x3FB2] =	sst s10  }
0x35: {  	s10 =	sld [smem:$0x3FB1];
	_ =	sdelay $0x3  }
0x36: {  	p1 =	seq.s32 s10, $0x1;
	s10 =	sld [smem:$0x3FB2];
	_ =	sdelay $0x3  }
0x37: {  	[smem:$0x3FB2] =	sst s10  }
0x38: {  	s10 =	sld [smem:$0x3FB3]  }
0x39: {  	_ = 	snop;
	(pc) =	sbr.ind lr, $3  }
0x3a: {  	_ = 	snop  }
0x3b: {  	_ = 	snop  }
0x3c: {  	p2 =	seq.s32 s10, $0x1;
	s10 =	sld [smem:$0x3FB2]  }
0x3d: {  	_ =	shalt  }
0x3e: {  	_ =	shalt  }
0x3f: {  	_ =	shalt  }
0x40: {  	_ =	shalt  }
0x41: {  	_ =	shalt  }
0x42: {  	_ =	shalt  }
0x43: {  	_ =	shalt  }
0x44: {  	_ =	shalt  }
0x45: {  	_ =	shalt  }
0x46: {  	_ =	shalt  }
0x47: {  	_ =	shalt  }
0x48: {  	_ =	shalt  }
0x49: {  	_ =	shalt  }
0x4a: {  	_ =	shalt  }
0x4b: {  	_ =	shalt  }
0x4c: {  	_ =	shalt  }
0x4d: {  	_ =	shalt  }
0x4e: {  	_ =	shalt  }
0x4f: {  	_ =	shalt  }
0x50: {  	_ =	shalt  }
0x51: {  	_ =	shalt  }
0x52: {  	_ =	shalt  }
0x53: {  	_ =	shalt  }
0x54: {  	_ =	shalt  }
0x55: {  	_ =	shalt  }
0x56: {  	_ =	shalt  }
0x57: {  	_ =	shalt  }
0x58: {  	_ =	shalt  }
0x59: {  	_ =	shalt  }
0x5a: {  	_ =	shalt  }
0x5b: {  	_ =	shalt  }
0x5c: {  	_ =	shalt  }
0x5d: {  	_ =	shalt  }
0x5e: {  	_ =	shalt  }
0x5f: {  	_ =	shalt  }
0x60: {  	_ =	shalt  }
0x61: {  	_ =	shalt  }
0x62: {  	_ =	shalt  }
0x63: {  	_ =	shalt  }
0x64: {  	_ =	shalt  }
0x65: {  	_ =	shalt  }
0x66: {  	_ =	shalt  }
0x67: {  	_ =	shalt  }
0x68: {  	_ =	shalt  }
0x69: {  	_ =	shalt  }
0x6a: {  	_ =	shalt  }
0x6b: {  	_ =	shalt  }
0x6c: {  	_ =	shalt  }
0x6d: {  	_ =	shalt  }
0x6e: {  	_ =	shalt  }
0x6f: {  	_ =	shalt  }
0x70: {  	_ =	shalt  }
0x71: {  	_ =	shalt  }
0x72: {  	_ =	shalt  }
0x73: {  	_ =	shalt  }
0x74: {  	_ =	shalt  }
0x75: {  	_ =	shalt  }
0x76: {  	_ =	shalt  }
0x77: {  	_ =	shalt  }
0x78: {  	_ =	shalt  }
0x79: {  	_ =	shalt  }
0x7a: {  	_ =	shalt  }
0x7b: {  	_ =	shalt  }
0x7c: {  	_ =	shalt  }
0x7d: {  	_ =	shalt  }
0x7e: {  	_ =	shalt  }
0x7f: {  	_ =	shalt  }
0x80: {  	_ =	shalt  }
0x81: {  	_ =	shalt  }
0x82: {  	_ =	shalt  }
0x83: {  	_ =	shalt  }
0x84: {  	_ =	shalt  }
0x85: {  	_ =	shalt  }
0x86: {  	_ =	shalt  }
0x87: {  	_ =	shalt  }
.Lfunc_end0:
.L_simem_size_0:
called_computation.2_lowered:
.L_overlay_start_0:
0x88: {  	s2 =	sld [smem:$0x3FD9]  }
0x89: {  	s3 =	sld [smem:$0x3FFE];
	_ =	sdelay $0x1  }
0x8a: {  	s1 =	srdreg.scid  }
0x8b: {  	s0 =	sand.u32 $0x1, s1  }
0x8c: {  	s16 =	sshll.u32 s0, $0xA;
	s2 =	sadd.s32 s3, s2  }
0x8d: {  	s2 =	sadd.s32 s2, s16  }
0x8e: {  	[smem:$0x3FBE] =	sst s2  }
0x8f: {  	_ = 	snop  }
0x90: {  	(tm) =	ssettm $0x1  }
0x91: {  	s17 =	sld [smem:$0x3FFB];
	_ =	sdelay $0x3  }
0x92: {  	_ =	strace s17  }
0x93: {  	s2 =	sld [smem:$0x3FFC];
	_ =	sdelay $0x3  }
0x94: {  	_ =	strace s2  }
0x95: {  	s2 =	sld [smem:$0x3FFD];
	_ =	sdelay $0x3  }
0x96: {  	_ =	strace s2  }
0x97: {  	_ =	strace $0x8FFFFFFF  }
0x98: {  	s18 =	sld [smem:$0x3FDB];
	_ =	sdelay $0x1  }
0x99: {  	s19 =	simm.s32 $_scs_section_size  }
0x9a: {  	s4 =	simm.s32 $_size__tile_overlayer_lowered;
	s5 =	simm.s32 $_tile_overlayer_lowered  }
0x9b: {  	s22 =	simm.s32 $0x1BFF;
	s21 =	sshll.u32 s5, $0x1;
	s2 =	sadd.s32 s19, s18  }
0x9c: {  	s6 =	simm.s32 $0x0;
	s20 =	sshll.u32 s4, $0x1;
	s4 =	sadd.s32 s21, s2  }
0x9d: {  	[timem:s6], [sflag:s22] =	dma.local [hbm:s4], s20  }
0x9e: {  	_ =	swait.ge [sflag:s22], s20  }
0x9f: {  	s3 =	ssub.s32 $0x0, s20;
	[sflag:s22] =	ssyncset.done $0x0  }
0xa0: {  	[sflag:s22] =	ssyncadd.s32 s3;
	_ =	sdelay $0x1  }
0xa1: {  	s23 =	simm.s32 $0x1B8B  }
0xa2: {  	_ =	swait.ge [sflag:s23], $0x1  }
0xa3: {  	[sflag:s23] =	ssyncset.done $0x0  }
0xa4: {  	s25 =	simm.s32 $0x1B8E;
	s24 =	sld [smem:$0x3FFE];
	[sflag:s23] =	ssyncadd.s32 $0xFFFFFFFF  }
0xa5: {  	s26 =	simm.s32 $execute0_lowered;
	[smem:$0x3FD2] =	sst s25  }
0xa6: {  	s4 =	sshll.u32 s26, $0x1;
	_ =	strace $0x8000004C;
	[dreg:$0x1] =	wrdreg $0xFFFFFFFF  }
0xa7: {  	s28 =	simm.s32 $_size_execute0_lowered;
	s2 =	sadd.s32 s2, s4;
	[dreg:$0x0] =	wrdreg $0x0  }
0xa8: {  	s4 =	sshll.u32 s28, $0x1;
	[dreg:$0x2] =	wrdreg s2  }
0xa9: {  	[dreg:$0x3] =	wrdreg s4  }
0xaa: {  	[dreg:$0x4] =	wrdreg $0xC0  }
0xab: {  	_ =	task [dreg:s6], $0x5FFFF  }
0xac: {  	[dreg:$0x1] =	wrdreg $0xFFFFFFFF  }
0xad: {  	[dreg:$0x0] =	wrdreg $0x60  }
0xae: {  	[dreg:$0x2] =	wrdreg s24  }
0xaf: {  	[dreg:$0x3] =	wrdreg $0x98000  }
0xb0: {  	[dreg:$0x4] =	wrdreg $0x9  }
0xb1: {  	_ =	task.clear_ibuf [dreg:s6], $0x5FFFF;
	_ =	strace $0x9000004C  }
0xb2: {  	s29 =	simm.s32 $0x9;
	_ =	strace $0x8000004E  }
0xb3: {  	_ =	swait.ge [sflag:s29], $0x1  }
0xb4: {  	[sflag:s29] =	ssyncadd.s32 $0xFFFFFFFF  }
0xb5: {  	_ =	strace $0x9000004E  }
0xb6: {  	_ =	sfence  }
0xb7: {  	s30 =	sld [smem:$0x0];
	_ =	sdelay $0x2  }
0xb8: {  	s31 =	sshll.u32 s1, $0xD;
	s1 =	sshrl.u32 s1, $0x2  }
0xb9: {  	s3 =	sand.u32 $0x4000, s31;
	s1 =	sadd.s32 s1, s30  }
0xba: {  	s0 =	sor.u32 s3, s0;
	s1 =	sshll.u32 s1, $0x11  }
0xbb: {  	s0 =	sor.u32 s1, s0  }
0xbc: {  	s0 =	sadd.s32 $0x8F2B, s0  }
0xbd: {  	[sflag:s0] =	ssyncadd.remote.s32 $0x1  }
0xbe: {  	_ =	sfence.sel $0xFFFF  }
0xbf: {  	[dreg:$0x0] =	wrdreg $0xFFFFFFFF;
	(pc) =	sbr.abs _section_cstart, $3  }
0xc0: {  	[dreg:$0x1] =	wrdreg $0xFFFFFFFF  }
0xc1: {  	_ =	task.clear_ibuf [dreg:s6], $0x2FFFF;
	_ =	strace $0x9FFFFFFF  }
0xc2: {  	(tm) =	ssettm $0x7FFFFFFF  }
0xc3: {  	_ =	shalt  }
tec
execute0_lowered:
.L_overlay_start_1:
0x0: {  	(tag) =	ssettag $0x1  }
0x1: {  	s5 =	rddreg [dreg:$0x0];
	s0 =	srdreg.scid  }
0x2: {  	s2 =	rddreg [dreg:$0x1];
	s1 =	stileid.u32  }
0x3: {  	s3 =	simm.s32 $0x0;
	s21 =	simm.s32 $0x5800;
	s22 =	simm.s32 $0x80  }
0x4: {  	s12 =	sand.u32 $0x1, s0;
	s0 =	rddreg [dreg:$0x2];
	s7 =	smul.u32 $0x2C00, s1  }
0x5: {  	s23 =	simm.s32 $0x0;
	[smem:$0x7FF] =	sst s3;
	s8 =	smul.u32 $0x50000, s1  }
0x6: {  	s4 =	sadd.s32 $0x1E00, s5;
	s13 =	smul.u32 $0x14000, s1;
	s17 =	sadd.s32 $0x3FE00, s5  }
0x7: {  	s6 =	smul.u32 $0x2C000, s12;
	_ =	strace $0x8000004D;
	s30 =	ssub.s32 $0x2, s12  }
0x8: {  	s20 =	smul.u32 $0x140000, s12;
	p0 =	seq.s32 s12, $0x0;
	s12 =	simm.s32 $0x4C  }
0x9: {  	s9 =	sshrl.u32 s30, $0x1;
	s31 =	sshrl.u32 s8, $0x2;
	s14 =	sadd.s32 $0x4000, s13  }
0xa: {  	s15 =	sadd.s32 $0x8000, s13;
	s16 =	sadd.s32 $0xC000, s13;
	s19 =	sadd.s32 $0x10000, s13  }
0xb: {  	s12 =	simm.s32 @!p0 $0x51;
	s6 =	sadd.s32 s7, s6;
	s18 =	ssub.s32 s30, s9  }
0xc: {  	s7 =	sadd.s32 s31, s2;
	s8 =	sadd.s32 s14, s2;
	s9 =	sadd.s32 s15, s2  }
0xd: {  	s10 =	sadd.s32 s16, s2;
	s11 =	sadd.s32 s19, s2;
	s13 =	sadd.s32 s13, s20  }
0xe: {  	s14 =	sadd.s32 s20, s14;
	s15 =	sadd.s32 s20, s15;
	s16 =	sadd.s32 s20, s16  }
0xf: {  	s19 =	sadd.s32 s20, s19;
	s20 =	simm.s32 $0x2C00;
	s6 =	sshrl.u32 s6, $0x3  }
0x10: {  	s13 =	sshrl.u32 s13, $0x3;
	s14 =	sshrl.u32 s14, $0x3;
	s15 =	sshrl.u32 s15, $0x3  }
0x11: {  	s16 =	sshrl.u32 s16, $0x3;
	s19 =	sshrl.u32 s19, $0x3;
	s18 =	smax.u32 s18, $0x1  }
0x12: {  	s6 =	sadd.s32 s6, s5;
	s13 =	sadd.s32 s17, s13;
	s14 =	sadd.s32 s17, s14  }
0x13: {  	s15 =	sadd.s32 s17, s15;
	s16 =	sadd.s32 s17, s16;
	s17 =	sadd.s32 s17, s19  }
0x14: {  	v0 =	vimm.f32 $0.0e+00;
	s19 =	simm.s32 $0x1;
	s5 =	sadd.s32 $0x29E00, s6;
	s6 =	sadd.s32 $0x34E00, s6  }
.LBB2_1:
0x15: {  	[tilespmem:s3], [sflag:$0x1] =	stream.linear.gather [hbm4b:s5+s3], $0x2880, $0x38;
	[tilespmem:$0x1D800] =	vst v63  }
0x16: {  	_ =	swait.ge [sflag:s19], $0x2880  }
0x17: {  	[sflag:s19] =	ssyncset.done $0x0  }
0x18: {  	[sflag:s19] =	ssyncadd.s32 $0xFFFFD780  }
0x19: {  	[tilespmem:s20], [sflag:$0x1] =	stream.linear.gather [hbm4b:s6+s3], $0x2880, $0x38;
	[tilespmem:$0x1D800] =	vst v63  }
0x1a: {  	_ =	swait.ge [sflag:s19], $0x2880  }
0x1b: {  	[sflag:s19] =	ssyncset.done $0x0  }
0x1c: {  	s24 =	simm.s32 $0x0;
	s25 =	simm.s32 $0x200;
	[sflag:s19] =	ssyncadd.s32 $0xFFFFD780  }
.LBB2_2:
0x1d: {  	p0 =	sne.s32 s25, $0xFE00;
	[tilespmem:s24+$0x5870] =	vst v0  }
0x1e: {  	[tilespmem:s24+$0x5800] =	vst v0  }
0x1f: {  	[tilespmem:s24+$0x5810] =	vst v0  }
.Ltmp0:
0x20: {  	[tilespmem:s24+$0x5820] =	vst v0;
	(pc) =	sbr.rel @p0 .LBB2_2-.Ltmp0, $4  }
0x21: {  	[tilespmem:s24+$0x5830] =	vst v0  }
0x22: {  	[tilespmem:s24+$0x5840] =	vst v0  }
0x23: {  	[tilespmem:s24+$0x5850] =	vst v0  }
0x24: {  	[tilespmem:s24+$0x5860] =	vst v0;
	s24 =	sshra.s32 s25, $0x2;
	s25 =	sadd.s32 $0x200, s25  }
0x25: {  	[tilespmem:s24+$0x5870] =	vst v0  }
0x26: {  	[tilespmem:s24+$0x5800] =	vst v0  }
0x27: {  	[tilespmem:s24+$0x5810] =	vst v0  }
0x28: {  	[tilespmem:s24+$0x5820] =	vst v0  }
0x29: {  	[tilespmem:s24+$0x5830] =	vst v0  }
0x2a: {  	[tilespmem:s24+$0x5840] =	vst v0  }
0x2b: {  	[tilespmem:s24+$0x5850] =	vst v0  }
0x2c: {  	[tilespmem:s24+$0x5860] =	vst v0  }
0x2d: {  	[spmem:s7] =	stream.linear.scatter [tilespmem:s21], [sflag:$0x1], $0x4000, $0x38;
	[tilespmem:$0x1D800] =	vst v63  }
0x2e: {  	_ =	swait.ge [sflag:s19], $0x4000  }
0x2f: {  	[sflag:s19] =	ssyncset.done $0x0  }
0x30: {  	[sflag:s19] =	ssyncadd.s32 $0xFFFFC000  }
0x31: {  	[spmem:s8] =	stream.linear.scatter [tilespmem:s21], [sflag:$0x1], $0x4000, $0x38;
	[tilespmem:$0x1D800] =	vst v63  }
0x32: {  	_ =	swait.ge [sflag:s19], $0x4000  }
0x33: {  	[sflag:s19] =	ssyncset.done $0x0  }
0x34: {  	[sflag:s19] =	ssyncadd.s32 $0xFFFFC000  }
0x35: {  	[spmem:s9] =	stream.linear.scatter [tilespmem:s21], [sflag:$0x1], $0x4000, $0x38;
	[tilespmem:$0x1D800] =	vst v63  }
0x36: {  	_ =	swait.ge [sflag:s19], $0x4000  }
0x37: {  	[sflag:s19] =	ssyncset.done $0x0  }
0x38: {  	[sflag:s19] =	ssyncadd.s32 $0xFFFFC000  }
0x39: {  	[spmem:s10] =	stream.linear.scatter [tilespmem:s21], [sflag:$0x1], $0x4000, $0x38;
	[tilespmem:$0x1D800] =	vst v63  }
0x3a: {  	_ =	swait.ge [sflag:s19], $0x4000  }
0x3b: {  	[sflag:s19] =	ssyncset.done $0x0  }
0x3c: {  	[sflag:s19] =	ssyncadd.s32 $0xFFFFC000  }
0x3d: {  	[spmem:s11] =	stream.linear.scatter [tilespmem:s21], [sflag:$0x1], $0x4000, $0x38;
	[tilespmem:$0x1D800] =	vst v63  }
0x3e: {  	_ =	swait.ge [sflag:s19], $0x4000  }
0x3f: {  	[sflag:s19] =	ssyncset.done $0x0  }
0x40: {  	[sflag:s19] =	ssyncadd.s32 $0xFFFFC000  }
0x41: {  	s24 =	simm.s32 $0x0;
	[bflag:$0x0] =	sbarrier.arrive $0xFFFF  }
0x42: {  	[tilespmem:s21], [sflag:$0x1] =	stream.indirect.gather [hbm4b:s4+s22], $0x80, s24, s22, $0xb8;
	[tilespmem:$0x1D800] =	vst v63  }
0x43: {  	p0 =	sne.s32 s12, $0x1;
	_ =	swait.ge [sflag:s19], $0x4000  }
.Ltmp1:
0x44: {  	[sflag:s19] =	ssyncset.done $0x0;
	(pc) =	sbr.rel @!p0 .LBB2_5-.Ltmp1, $4  }
0x45: {  	s25 =	simm.s32 $0x2C00;
	[sflag:s19] =	ssyncadd.s32 $0xFFFFC000  }
0x46: {  	[spmem:s2] =	stream.indirect.scatter.add.f32 [tilespmem:s21], [sflag:$0x1], $0x80, s25, s22, $0xb8;
	[tilespmem:$0x1D800] =	vst v63  }
0x47: {  	_ =	swait.ge [sflag:s19], $0x4000  }
0x48: {  	s26 =	sadd.s32 $0xFFFFFFFF, s12;
	[sflag:s19] =	ssyncset.done $0x0  }
.LBB2_4:
0x49: {  	[sflag:s19] =	ssyncadd.s32 $0xFFFFC000;
	s24 =	sadd.s32 $0x80, s24;
	s25 =	sadd.s32 $0x80, s25  }
0x4a: {  	[tilespmem:s21], [sflag:$0x1] =	stream.indirect.gather [hbm4b:s4+s22], $0x80, s24, s22, $0xb8;
	[tilespmem:$0x1D800] =	vst v63  }
0x4b: {  	p0 =	sne.s32 s26, $0x1;
	s26 =	sadd.s32 $0xFFFFFFFF, s26;
	_ =	swait.ge [sflag:s19], $0x4000  }
.Ltmp2:
0x4c: {  	[sflag:s19] =	ssyncset.done $0x0;
	(pc) =	sbr.rel @p0 .LBB2_4-.Ltmp2, $4  }
0x4d: {  	[sflag:s19] =	ssyncadd.s32 $0xFFFFC000  }
0x4e: {  	[spmem:s2] =	stream.indirect.scatter.add.f32 [tilespmem:s21], [sflag:$0x1], $0x80, s25, s22, $0xb8;
	[tilespmem:$0x1D800] =	vst v63  }
0x4f: {  	_ =	swait.ge [sflag:s19], $0x4000  }
0x50: {  	[sflag:s19] =	ssyncset.done $0x0  }
.LBB2_5:
0x51: {  	[sflag:s19] =	ssyncadd.s32 $0xFFFFC000;
	s24 =	sshll.u32 s1, $0x6  }
0x52: {  	s25 =	sshrl.u32 s7, $0x3;
	[bflag:$0x0] =	sbarrier.arrive $0xFFFF;
	s24 =	sor.u32 $0x1C01, s24  }
0x53: {  	[hbm:s13], [sflag:s24] =	dma.local [spmem:s25], $0x800  }
0x54: {  	_ =	swait.ge [sflag:s19], $0x800  }
0x55: {  	[sflag:s19] =	ssyncset.done $0x0  }
0x56: {  	s28 =	sshrl.u32 s8, $0x3;
	[sflag:s19] =	ssyncadd.s32 $0xFFFFF800  }
0x57: {  	[hbm:s14], [sflag:s24] =	dma.local [spmem:s28], $0x800  }
0x58: {  	_ =	swait.ge [sflag:s19], $0x800  }
0x59: {  	[sflag:s19] =	ssyncset.done $0x0  }
0x5a: {  	s29 =	sshrl.u32 s9, $0x3;
	[sflag:s19] =	ssyncadd.s32 $0xFFFFF800  }
0x5b: {  	[hbm:s15], [sflag:s24] =	dma.local [spmem:s29], $0x800  }
0x5c: {  	_ =	swait.ge [sflag:s19], $0x800  }
0x5d: {  	[sflag:s19] =	ssyncset.done $0x0  }
0x5e: {  	s30 =	sshrl.u32 s10, $0x3;
	[sflag:s19] =	ssyncadd.s32 $0xFFFFF800  }
0x5f: {  	[hbm:s16], [sflag:s24] =	dma.local [spmem:s30], $0x800  }
0x60: {  	s23 =	sadd.s32 $0x1, s23;
	_ =	swait.ge [sflag:s19], $0x800  }
0x61: {  	p0 =	sne.s32 s23, s18;
	[sflag:s19] =	ssyncset.done $0x0  }
.Ltmp3:
0x62: {  	s31 =	sshrl.u32 s11, $0x3;
	[sflag:s19] =	ssyncadd.s32 $0xFFFFF800;
	(pc) =	sbr.rel @p0 .LBB2_1-.Ltmp3, $4  }
0x63: {  	[hbm:s17], [sflag:s24] =	dma.local [spmem:s31], $0x800  }
0x64: {  	_ =	swait.ge [sflag:s19], $0x800  }
0x65: {  	[sflag:s19] =	ssyncset.done $0x0  }
0x66: {  	[sflag:s19] =	ssyncadd.s32 $0xFFFFF800  }
0x67: {  	_ =	sfence.sel $0x180000  }
0x68: {  	[bflag:$0x0] =	sbarrier.arrive $0xFFFF  }
0x69: {  	p0 =	sne.s32 s1, $0x0;
	_ =	strace $0x9000004D  }
0x6a: {  	s0 =	sadd.s32 @!p0 $0x100000, s0;
	[bflag:$0x2] =	sbarrier.arrive $0xFFFF  }
0x6b: {  	[sflag:s0] =	ssyncadd.tile.s32 @!p0 $0x1;
	_ =	shalt  }
.Lfunc_end2:
_tile_overlayer_lowered:
.L_overlay_start_2:
0x6c: {  	(tag) =	ssettag $0x2  }
0x6d: {  	s0 =	rddreg [dreg:$0x0];
	s2 =	stileid.u32  }
0x6e: {  	s1 =	rddreg [dreg:$0x1];
	p0 =	sne.s32 s2, $0x0  }
0x6f: {  	s3 =	rddreg [dreg:$0x2];
	[bflag:$0x3] =	sbarrier.arrive $0xFFFF;
	s2 =	simm.s32 @!p0 $0x1C01  }
0x70: {  	[timem:s3], [sflag:s2] =	dma.local @!p0 [hbm:s0], s1  }
0x71: {  	s0 =	simm.s32 @!p0 $0x1  }
0x72: {  	_ =	swait.ge @!p0 [sflag:s0], s1  }
0x73: {  	s1 =	ssub.s32 @!p0 $0x0, s1;
	[sflag:s0] =	ssyncset.done @!p0 $0x0  }
0x74: {  	[sflag:s0] =	ssyncadd.s32 @!p0 s1  }
0x75: {  	[bflag:$0x3] =	sbarrier.arrive $0xFFFF  }
0x76: {  	_ =	shalt  }

// kernel: kernel.8.cloned.1.call-start
scs
__scs_entry_jumppad:
0x0: {  	(pc) =	sbr.rel $0x88, $3  }
0x1: {  	(tag) =	ssettag $0x0;
	lr =	simm.s32 $0x1  }
0x2: {  	[smem:$0x3F97] =	sst lr;
	_ =	strace $0xD0000000  }
0x3: {  	_ = 	snop  }
0x4: {  	_ = 	snop  }
0x5: {  	_ = 	snop  }
0x6: {  	_ = 	snop  }
0x7: {  	_ = 	snop  }
__scs_overlays_trampoline_lowered:
0x8: {  	[smem:$0x3FA6] =	sst s0  }
0x9: {  	[smem:$0x3FA7] =	sst s1  }
0xa: {  	[smem:$0x3FA8] =	sst s2  }
0xb: {  	[smem:$0x3FA9] =	sst s3  }
0xc: {  	[smem:$0x3FAA] =	sst s4  }
0xd: {  	[smem:$0x3FAB] =	sst s5  }
0xe: {  	[smem:$0x3FAC] =	sst s6  }
0xf: {  	[smem:$0x3FAD] =	sst s7  }
0x10: {  	[smem:$0x3FAE] =	sst s8  }
0x11: {  	[smem:$0x3FAF] =	sst s9;
	s0 =	simm.s32 @!p0 $0x0  }
0x12: {  	s1 =	sld [smem:$0x3F95];
	s0 =	simm.s32 @p0 $0x1  }
0x13: {  	[smem:$0x3FB0] =	sst s0;
	s0 =	simm.s32 @!p1 $0x0  }
0x14: {  	s2 =	sld [smem:$0x3F94];
	s0 =	simm.s32 @p1 $0x1  }
0x15: {  	[smem:$0x3FB1] =	sst s0;
	s0 =	simm.s32 @!p2 $0x0  }
0x16: {  	s3 =	sld [smem:$0x3FDB];
	s0 =	simm.s32 @p2 $0x1  }
0x17: {  	s4 =	simm.s32 $0x1BF5;
	[smem:$0x3FB3] =	sst s0  }
0x18: {  	s0 =	sld [smem:$0x3F96];
	_ =	swait.ge [sflag:s4], $0x0  }
0x19: {  	s7 =	sld [smem:$0x3F97]  }
0x1a: {  	s8 =	sadd.s32 $0xFFFFE003, lr  }
0x1b: {  	s9 =	sadd.s32 $0xFFFFFEF7, lr;
	s5 =	simm.s32 $0xFFFFFFFF;
	p2 =	slt.u32 s8, $0xFFFFF086  }
0x1c: {  	p1 =	slt.u32 s9, $0xF7A;
	s5 =	simm.s32 @!p2 $0x0  }
0x1d: {  	s5 =	simm.s32 @p1 $0x1;
	p0 =	seq.s32 s7, s2  }
0x1e: {  	s7 =	smul.u32 @!p0 $0xF7A, s2;
	p2 =	seq.s32 @!p0 s5, $0x0  }
0x1f: {  	s9 =	smul.u32 $0xF7A, s1;
	s8 =	simm.s32 @!p0 $0x1BF5;
	p2 =	por !p2, p0  }
0x20: {  	[sflag:s8] =	ssyncset.s32 @!p0 $0xFFFFF086;
	s6 =	sadd.s32 @!p0 s3, s7;
	s7 =	simm.s32 @!p0 $0x108  }
0x21: {  	s3 =	sadd.s32 s3, s9;
	s6 =	sadd.s32 @!p0 $0x88, s6;
	s7 =	simm.s32 @p2 $0x1082  }
0x22: {  	[simem:s7], [sflag:s8] =	dma.local @!p0 [hbm:s6], $0xF7A  }
0x23: {  	s9 =	sor.u32 $0xD0000000, s2;
	s6 =	simm.s32 $0x108;
	_ =	swait.ge @!p0 [sflag:s8], $0x0  }
0x24: {  	s3 =	sadd.s32 $0x88, s3;
	s6 =	simm.s32 @!p1 $0x1082;
	[sflag:s4] =	ssyncset.s32 $0xFFFFF086  }
0x25: {  	[simem:s6], [sflag:s4] =	dma.local [hbm:s3], $0xF7A  }
0x26: {  	[smem:$0x3F97] =	sst s1;
	(tag) =	ssettag s2;
	_ =	strace s9  }
0x27: {  	s1 =	sld [smem:$0x3FA7]  }
0x28: {  	s2 =	sld [smem:$0x3FA8]  }
0x29: {  	s4 =	sld [smem:$0x3FAA]  }
0x2a: {  	p0 =	seq.s32 s5, $0x0;
	s5 =	sld [smem:$0x3FAB]  }
0x2b: {  	s6 =	sld [smem:$0x3FAC]  }
0x2c: {  	s7 =	sld [smem:$0x3FAD]  }
0x2d: {  	s3 =	simm.s32 $0x108;
	s8 =	sld [smem:$0x3FAE]  }
0x2e: {  	s3 =	simm.s32 @!p0 $0x1082;
	s9 =	sld [smem:$0x3FAF]  }
0x2f: {  	lr =	sadd.s32 s0, s3;
	s0 =	sld [smem:$0x3FA6]  }
0x30: {  	s3 =	sld [smem:$0x3FA9]  }
0x31: {  	[smem:$0x3FB2] =	sst s10  }
0x32: {  	s10 =	sld [smem:$0x3FB0];
	_ =	sdelay $0x3  }
0x33: {  	p0 =	seq.s32 s10, $0x1;
	s10 =	sld [smem:$0x3FB2];
	_ =	sdelay $0x3  }
0x34: {  	[smem:$0x3FB2] =	sst s10  }
0x35: {  	s10 =	sld [smem:$0x3FB1];
	_ =	sdelay $0x3  }
0x36: {  	p1 =	seq.s32 s10, $0x1;
	s10 =	sld [smem:$0x3FB2];
	_ =	sdelay $0x3  }
0x37: {  	[smem:$0x3FB2] =	sst s10  }
0x38: {  	s10 =	sld [smem:$0x3FB3]  }
0x39: {  	_ = 	snop;
	(pc) =	sbr.ind lr, $3  }
0x3a: {  	_ = 	snop  }
0x3b: {  	_ = 	snop  }
0x3c: {  	p2 =	seq.s32 s10, $0x1;
	s10 =	sld [smem:$0x3FB2]  }
0x3d: {  	_ =	shalt  }
0x3e: {  	_ =	shalt  }
0x3f: {  	_ =	shalt  }
0x40: {  	_ =	shalt  }
0x41: {  	_ =	shalt  }
0x42: {  	_ =	shalt  }
0x43: {  	_ =	shalt  }
0x44: {  	_ =	shalt  }
0x45: {  	_ =	shalt  }
0x46: {  	_ =	shalt  }
0x47: {  	_ =	shalt  }
0x48: {  	_ =	shalt  }
0x49: {  	_ =	shalt  }
0x4a: {  	_ =	shalt  }
0x4b: {  	_ =	shalt  }
0x4c: {  	_ =	shalt  }
0x4d: {  	_ =	shalt  }
0x4e: {  	_ =	shalt  }
0x4f: {  	_ =	shalt  }
0x50: {  	_ =	shalt  }
0x51: {  	_ =	shalt  }
0x52: {  	_ =	shalt  }
0x53: {  	_ =	shalt  }
0x54: {  	_ =	shalt  }
0x55: {  	_ =	shalt  }
0x56: {  	_ =	shalt  }
0x57: {  	_ =	shalt  }
0x58: {  	_ =	shalt  }
0x59: {  	_ =	shalt  }
0x5a: {  	_ =	shalt  }
0x5b: {  	_ =	shalt  }
0x5c: {  	_ =	shalt  }
0x5d: {  	_ =	shalt  }
0x5e: {  	_ =	shalt  }
0x5f: {  	_ =	shalt  }
0x60: {  	_ =	shalt  }
0x61: {  	_ =	shalt  }
0x62: {  	_ =	shalt  }
0x63: {  	_ =	shalt  }
0x64: {  	_ =	shalt  }
0x65: {  	_ =	shalt  }
0x66: {  	_ =	shalt  }
0x67: {  	_ =	shalt  }
0x68: {  	_ =	shalt  }
0x69: {  	_ =	shalt  }
0x6a: {  	_ =	shalt  }
0x6b: {  	_ =	shalt  }
0x6c: {  	_ =	shalt  }
0x6d: {  	_ =	shalt  }
0x6e: {  	_ =	shalt  }
0x6f: {  	_ =	shalt  }
0x70: {  	_ =	shalt  }
0x71: {  	_ =	shalt  }
0x72: {  	_ =	shalt  }
0x73: {  	_ =	shalt  }
0x74: {  	_ =	shalt  }
0x75: {  	_ =	shalt  }
0x76: {  	_ =	shalt  }
0x77: {  	_ =	shalt  }
0x78: {  	_ =	shalt  }
0x79: {  	_ =	shalt  }
0x7a: {  	_ =	shalt  }
0x7b: {  	_ =	shalt  }
0x7c: {  	_ =	shalt  }
0x7d: {  	_ =	shalt  }
0x7e: {  	_ =	shalt  }
0x7f: {  	_ =	shalt  }
0x80: {  	_ =	shalt  }
0x81: {  	_ =	shalt  }
0x82: {  	_ =	shalt  }
0x83: {  	_ =	shalt  }
0x84: {  	_ =	shalt  }
0x85: {  	_ =	shalt  }
0x86: {  	_ =	shalt  }
0x87: {  	_ =	shalt  }
.Lfunc_end0:
.L_simem_size_0:
called_computation_lowered:
.L_overlay_start_0:
0x88: {  	s2 =	sld [smem:$0x3FD9]  }
0x89: {  	s3 =	sld [smem:$0x3FFE];
	_ =	sdelay $0x1  }
0x8a: {  	s1 =	srdreg.scid  }
0x8b: {  	s0 =	sand.u32 $0x1, s1  }
0x8c: {  	s16 =	sshll.u32 s0, $0xA;
	s2 =	sadd.s32 s3, s2  }
0x8d: {  	s2 =	sadd.s32 s2, s16  }
0x8e: {  	[smem:$0x3FBE] =	sst s2  }
0x8f: {  	_ = 	snop  }
0x90: {  	(tm) =	ssettm $0x1  }
0x91: {  	s17 =	sld [smem:$0x3FFB];
	_ =	sdelay $0x3  }
0x92: {  	_ =	strace s17  }
0x93: {  	s2 =	sld [smem:$0x3FFC];
	_ =	sdelay $0x3  }
0x94: {  	_ =	strace s2  }
0x95: {  	s2 =	sld [smem:$0x3FFD];
	_ =	sdelay $0x3  }
0x96: {  	_ =	strace s2  }
0x97: {  	_ =	strace $0x8FFFFFFF  }
0x98: {  	s18 =	sld [smem:$0x3FDB];
	_ =	sdelay $0x1  }
0x99: {  	s19 =	simm.s32 $_scs_section_size  }
0x9a: {  	s4 =	simm.s32 $_size__tile_overlayer_lowered;
	s5 =	simm.s32 $_tile_overlayer_lowered  }
0x9b: {  	s22 =	simm.s32 $0x1BFF;
	s21 =	sshll.u32 s5, $0x1;
	s2 =	sadd.s32 s19, s18  }
0x9c: {  	s6 =	simm.s32 $0x0;
	s20 =	sshll.u32 s4, $0x1;
	s4 =	sadd.s32 s21, s2  }
0x9d: {  	[timem:s6], [sflag:s22] =	dma.local [hbm:s4], s20  }
0x9e: {  	_ =	swait.ge [sflag:s22], s20  }
0x9f: {  	s3 =	ssub.s32 $0x0, s20;
	[sflag:s22] =	ssyncset.done $0x0  }
0xa0: {  	[sflag:s22] =	ssyncadd.s32 s3;
	_ =	sdelay $0x1  }
0xa1: {  	s23 =	simm.s32 $0x1B8B  }
0xa2: {  	_ =	swait.ge [sflag:s23], $0x1  }
0xa3: {  	[sflag:s23] =	ssyncset.done $0x0  }
0xa4: {  	s25 =	simm.s32 $0x1B8E;
	s24 =	sld [smem:$0x3FFE];
	[sflag:s23] =	ssyncadd.s32 $0xFFFFFFFF  }
0xa5: {  	s26 =	simm.s32 $execute0_lowered;
	[smem:$0x3FD2] =	sst s25  }
0xa6: {  	s4 =	sshll.u32 s26, $0x1;
	_ =	strace $0x80000046;
	[dreg:$0x1] =	wrdreg $0xFFFFFFFF  }
0xa7: {  	s28 =	simm.s32 $_size_execute0_lowered;
	s2 =	sadd.s32 s2, s4;
	[dreg:$0x0] =	wrdreg $0x0  }
0xa8: {  	s4 =	sshll.u32 s28, $0x1;
	[dreg:$0x2] =	wrdreg s2  }
0xa9: {  	[dreg:$0x3] =	wrdreg s4  }
0xaa: {  	[dreg:$0x4] =	wrdreg $0xC0  }
0xab: {  	_ =	task [dreg:s6], $0x5FFFF  }
0xac: {  	[dreg:$0x1] =	wrdreg $0xFFFFFFFF  }
0xad: {  	[dreg:$0x0] =	wrdreg $0x60  }
0xae: {  	[dreg:$0x2] =	wrdreg s24  }
0xaf: {  	[dreg:$0x3] =	wrdreg $0x9  }
0xb0: {  	_ =	task.clear_ibuf [dreg:s6], $0x4FFFF;
	_ =	strace $0x90000046  }
0xb1: {  	s29 =	simm.s32 $0x9;
	_ =	strace $0x80000048  }
0xb2: {  	_ =	swait.ge [sflag:s29], $0x1  }
0xb3: {  	[sflag:s29] =	ssyncadd.s32 $0xFFFFFFFF  }
0xb4: {  	_ =	strace $0x90000048  }
0xb5: {  	_ =	sfence  }
0xb6: {  	s30 =	sld [smem:$0x0];
	_ =	sdelay $0x2  }
0xb7: {  	s31 =	sshll.u32 s1, $0xD;
	s1 =	sshrl.u32 s1, $0x2  }
0xb8: {  	s3 =	sand.u32 $0x4000, s31;
	s1 =	sadd.s32 s1, s30  }
0xb9: {  	s0 =	sor.u32 s3, s0;
	s1 =	sshll.u32 s1, $0x11  }
0xba: {  	s0 =	sor.u32 s1, s0  }
0xbb: {  	s0 =	sadd.s32 $0x8F2B, s0  }
0xbc: {  	[sflag:s0] =	ssyncadd.remote.s32 $0x1  }
0xbd: {  	_ =	sfence.sel $0xFFFF  }
0xbe: {  	[dreg:$0x0] =	wrdreg $0xFFFFFFFF;
	(pc) =	sbr.abs _section_cstart, $3  }
0xbf: {  	[dreg:$0x1] =	wrdreg $0xFFFFFFFF  }
0xc0: {  	_ =	task.clear_ibuf [dreg:s6], $0x2FFFF;
	_ =	strace $0x9FFFFFFF  }
0xc1: {  	(tm) =	ssettm $0x7FFFFFFF  }
tec
execute0_lowered:
.L_overlay_start_1:
0x0: {  	(tag) =	ssettag $0x1  }
0x1: {  	s0 =	srdreg.scid  }
0x2: {  	s5 =	rddreg [dreg:$0x0];
	s3 =	sand.u32 $0x1, s0  }
0x3: {  	s0 =	stileid.u32;
	s4 =	smul.u32 $0x28000, s3  }
0x4: {  	s1 =	rddreg [dreg:$0x1];
	s6 =	smul.u32 $0x2800, s0  }
0x5: {  	s2 =	simm.s32 $0x0;
	s10 =	simm.s32 $0x80;
	s7 =	smul.u32 $0x50000, s3  }
0x6: {  	s11 =	simm.s32 $0x100;
	[smem:$0x7FF] =	sst s2;
	s8 =	smul.u32 $0x5000, s0  }
0x7: {  	s12 =	simm.s32 $0x0;
	_ =	strace $0x80000047;
	s3 =	ssub.s32 $0x2, s3  }
0x8: {  	s30 =	sshrl.u32 s3, $0x1;
	s4 =	sadd.s32 s6, s4;
	s26 =	sadd.s32 s8, s7  }
0x9: {  	s9 =	ssub.s32 s3, s30;
	s8 =	simm.s32 $0x1;
	s4 =	sshrl.u32 s4, $0x3  }
0xa: {  	s29 =	sshrl.u32 s26, $0x3;
	s7 =	smax.u32 s9, $0x1;
	s28 =	sadd.s32 s4, s5  }
0xb: {  	s9 =	simm.s32 $0x2800;
	s31 =	sadd.s32 s29, s5;
	s3 =	sadd.s32 $0x1E00, s28  }
0xc: {  	v0 =	vimm.f32 $0.0e+00;
	v1 =	vimm.f32 $1.000000000e+00;
	s4 =	sadd.s32 $0x15E00, s31;
	s5 =	sadd.s32 $0xBE00, s28;
	s6 =	sadd.s32 $0x15E10, s31  }
.LBB2_1:
0xd: {  	[tilespmem:s2], [sflag:$0x1] =	stream.linear.gather [hbm4b:s3+s2], $0x2780, $0x38;
	[tilespmem:$0x5000] =	vst v63  }
0xe: {  	_ =	swait.ge [sflag:s8], $0x2780  }
0xf: {  	[sflag:s8] =	ssyncset.done $0x0  }
0x10: {  	s13 =	simm.s32 $0x0;
	s14 =	simm.s32 $0x200;
	[sflag:s8] =	ssyncadd.s32 $0xFFFFD880  }
.LBB2_2:
0x11: {  	p0 =	sne.s32 s14, $0x9E00;
	[tilespmem:s13+$0x2870] =	vst v0  }
0x12: {  	[tilespmem:s13+$0x2800] =	vst v0  }
0x13: {  	[tilespmem:s13+$0x2810] =	vst v0  }
.Ltmp0:
0x14: {  	[tilespmem:s13+$0x2820] =	vst v0;
	(pc) =	sbr.rel @p0 .LBB2_2-.Ltmp0, $4  }
0x15: {  	[tilespmem:s13+$0x2830] =	vst v0  }
0x16: {  	[tilespmem:s13+$0x2840] =	vst v0  }
0x17: {  	[tilespmem:s13+$0x2850] =	vst v0  }
0x18: {  	[tilespmem:s13+$0x2860] =	vst v0;
	s13 =	sshra.s32 s14, $0x2;
	s14 =	sadd.s32 $0x200, s14  }
0x19: {  	[tilespmem:s13+$0x2870] =	vst v0  }
0x1a: {  	[tilespmem:s13+$0x2800] =	vst v0  }
0x1b: {  	[tilespmem:s13+$0x2810] =	vst v0  }
0x1c: {  	[tilespmem:s13+$0x2820] =	vst v0  }
0x1d: {  	[tilespmem:s13+$0x2830] =	vst v0  }
0x1e: {  	[tilespmem:s13+$0x2840] =	vst v0  }
0x1f: {  	[tilespmem:s13+$0x2850] =	vst v0  }
0x20: {  	[tilespmem:s13+$0x2860] =	vst v0;
	s13 =	simm.s32 $0x0  }
.LBB2_4:
0x21: {  	s14 =	sshra.s32 s13, $0x2  }
0x22: {  	v2 =	vld [tilespmem:s14+$0x0];
	_ =	sdelay $0x7  }
0x23: {  	[tilespmem:v2+s9+$0x0] =	vst.idx.add.f32.msk $0xffff, v1  }
0x24: {  	v2 =	vld [tilespmem:s14+$0x10];
	_ =	sdelay $0x7  }
0x25: {  	[tilespmem:v2+s9+$0x0] =	vst.idx.add.f32.msk $0xffff, v1  }
0x26: {  	v2 =	vld [tilespmem:s14+$0x20];
	_ =	sdelay $0x7  }
0x27: {  	[tilespmem:v2+s9+$0x0] =	vst.idx.add.f32.msk $0xffff, v1  }
0x28: {  	v2 =	vld [tilespmem:s14+$0x30];
	_ =	sdelay $0x7  }
0x29: {  	[tilespmem:v2+s9+$0x0] =	vst.idx.add.f32.msk $0xffff, v1  }
0x2a: {  	v2 =	vld [tilespmem:s14+$0x40];
	_ =	sdelay $0x7  }
0x2b: {  	[tilespmem:v2+s9+$0x0] =	vst.idx.add.f32.msk $0xffff, v1  }
0x2c: {  	v2 =	vld [tilespmem:s14+$0x50];
	_ =	sdelay $0x7  }
0x2d: {  	[tilespmem:v2+s9+$0x0] =	vst.idx.add.f32.msk $0xffff, v1  }
0x2e: {  	v2 =	vld [tilespmem:s14+$0x60];
	_ =	sdelay $0x7  }
0x2f: {  	[tilespmem:v2+s9+$0x0] =	vst.idx.add.f32.msk $0xffff, v1  }
0x30: {  	v2 =	vld [tilespmem:s14+$0x70];
	_ =	sdelay $0x2  }
0x31: {  	p0 =	sne.s32 s13, $0x9C00  }
.Ltmp1:
0x32: {  	_ = 	snop;
	(pc) =	sbr.rel @p0 .LBB2_4-.Ltmp1, $2  }
0x33: {  	_ =	sdelay $0x2  }
0x34: {  	s13 =	sadd.s32 $0x200, s13;
	[tilespmem:v2+s9+$0x0] =	vst.idx.add.f32.msk $0xffff, v1  }
0x35: {  	[hbm4b:s4+s10] =	stream.strided.scatter [tilespmem:s9], [sflag:$0x1], $0x2800, s11, s10, $0x38;
	[tilespmem:$0x5000] =	vst v63  }
0x36: {  	_ =	swait.ge [sflag:s8], $0x2800  }
0x37: {  	[sflag:s8] =	ssyncset.done $0x0  }
0x38: {  	s13 =	simm.s32 $0x0;
	[sflag:s8] =	ssyncadd.s32 $0xFFFFD800  }
0x39: {  	[tilespmem:s13], [sflag:$0x1] =	stream.linear.gather [hbm4b:s5+s13], $0x2780, $0x38;
	[tilespmem:$0x5000] =	vst v63  }
0x3a: {  	_ =	swait.ge [sflag:s8], $0x2780  }
0x3b: {  	[sflag:s8] =	ssyncset.done $0x0  }
0x3c: {  	s14 =	simm.s32 $0x0;
	s15 =	simm.s32 $0x200;
	[sflag:s8] =	ssyncadd.s32 $0xFFFFD880  }
.LBB2_6:
0x3d: {  	p0 =	sne.s32 s15, $0x9E00;
	[tilespmem:s14+$0x2870] =	vst v0  }
0x3e: {  	[tilespmem:s14+$0x2800] =	vst v0  }
0x3f: {  	[tilespmem:s14+$0x2810] =	vst v0  }
.Ltmp2:
0x40: {  	[tilespmem:s14+$0x2820] =	vst v0;
	(pc) =	sbr.rel @p0 .LBB2_6-.Ltmp2, $4  }
0x41: {  	[tilespmem:s14+$0x2830] =	vst v0  }
0x42: {  	[tilespmem:s14+$0x2840] =	vst v0  }
0x43: {  	[tilespmem:s14+$0x2850] =	vst v0  }
0x44: {  	[tilespmem:s14+$0x2860] =	vst v0;
	s14 =	sshra.s32 s15, $0x2;
	s15 =	sadd.s32 $0x200, s15  }
0x45: {  	[tilespmem:s14+$0x2870] =	vst v0  }
0x46: {  	[tilespmem:s14+$0x2800] =	vst v0  }
0x47: {  	[tilespmem:s14+$0x2810] =	vst v0  }
0x48: {  	[tilespmem:s14+$0x2820] =	vst v0  }
0x49: {  	[tilespmem:s14+$0x2830] =	vst v0  }
0x4a: {  	[tilespmem:s14+$0x2840] =	vst v0  }
0x4b: {  	[tilespmem:s14+$0x2850] =	vst v0  }
0x4c: {  	[tilespmem:s14+$0x2860] =	vst v0  }
.LBB2_8:
0x4d: {  	s14 =	sshra.s32 s13, $0x2  }
0x4e: {  	v2 =	vld [tilespmem:s14+$0x0];
	_ =	sdelay $0x7  }
0x4f: {  	[tilespmem:v2+s9+$0x0] =	vst.idx.add.f32.msk $0xffff, v1  }
0x50: {  	v2 =	vld [tilespmem:s14+$0x10];
	_ =	sdelay $0x7  }
0x51: {  	[tilespmem:v2+s9+$0x0] =	vst.idx.add.f32.msk $0xffff, v1  }
0x52: {  	v2 =	vld [tilespmem:s14+$0x20];
	_ =	sdelay $0x7  }
0x53: {  	[tilespmem:v2+s9+$0x0] =	vst.idx.add.f32.msk $0xffff, v1  }
0x54: {  	v2 =	vld [tilespmem:s14+$0x30];
	_ =	sdelay $0x7  }
0x55: {  	[tilespmem:v2+s9+$0x0] =	vst.idx.add.f32.msk $0xffff, v1  }
0x56: {  	v2 =	vld [tilespmem:s14+$0x40];
	_ =	sdelay $0x7  }
0x57: {  	[tilespmem:v2+s9+$0x0] =	vst.idx.add.f32.msk $0xffff, v1  }
0x58: {  	v2 =	vld [tilespmem:s14+$0x50];
	_ =	sdelay $0x7  }
0x59: {  	[tilespmem:v2+s9+$0x0] =	vst.idx.add.f32.msk $0xffff, v1  }
0x5a: {  	v2 =	vld [tilespmem:s14+$0x60];
	_ =	sdelay $0x7  }
0x5b: {  	[tilespmem:v2+s9+$0x0] =	vst.idx.add.f32.msk $0xffff, v1  }
0x5c: {  	v2 =	vld [tilespmem:s14+$0x70];
	_ =	sdelay $0x2  }
0x5d: {  	p0 =	sne.s32 s13, $0x9C00  }
.Ltmp3:
0x5e: {  	_ = 	snop;
	(pc) =	sbr.rel @p0 .LBB2_8-.Ltmp3, $2  }
0x5f: {  	_ =	sdelay $0x2  }
0x60: {  	s13 =	sadd.s32 $0x200, s13;
	[tilespmem:v2+s9+$0x0] =	vst.idx.add.f32.msk $0xffff, v1  }
0x61: {  	s12 =	sadd.s32 $0x1, s12  }
0x62: {  	p0 =	sne.s32 s12, s7  }
.Ltmp4:
0x63: {  	_ = 	snop;
	(pc) =	sbr.rel @p0 .LBB2_1-.Ltmp4, $4  }
0x64: {  	[hbm4b:s6+s10] =	stream.strided.scatter [tilespmem:s9], [sflag:$0x1], $0x2800, s11, s10, $0x38;
	[tilespmem:$0x5000] =	vst v63  }
0x65: {  	_ =	swait.ge [sflag:s8], $0x2800  }
0x66: {  	[sflag:s8] =	ssyncset.done $0x0  }
0x67: {  	[sflag:s8] =	ssyncadd.s32 $0xFFFFD800  }
0x68: {  	_ =	sfence.sel $0x180000  }
0x69: {  	[bflag:$0x0] =	sbarrier.arrive $0xFFFF  }
0x6a: {  	p0 =	sne.s32 s0, $0x0;
	_ =	strace $0x90000047  }
0x6b: {  	s0 =	sadd.s32 @!p0 $0x100000, s1;
	[bflag:$0x2] =	sbarrier.arrive $0xFFFF  }
0x6c: {  	[sflag:s0] =	ssyncadd.tile.s32 @!p0 $0x1;
	_ =	shalt  }
.Lfunc_end2:
_tile_overlayer_lowered:
.L_overlay_start_2:
0x6d: {  	(tag) =	ssettag $0x2  }
0x6e: {  	s0 =	rddreg [dreg:$0x0];
	s2 =	stileid.u32  }
0x6f: {  	s1 =	rddreg [dreg:$0x1];
	p0 =	sne.s32 s2, $0x0  }
0x70: {  	s3 =	rddreg [dreg:$0x2];
	[bflag:$0x3] =	sbarrier.arrive $0xFFFF;
	s2 =	simm.s32 @!p0 $0x1C01  }
0x71: {  	[timem:s3], [sflag:s2] =	dma.local @!p0 [hbm:s0], s1  }
0x72: {  	s0 =	simm.s32 @!p0 $0x1  }
0x73: {  	_ =	swait.ge @!p0 [sflag:s0], s1  }
0x74: {  	s1 =	ssub.s32 @!p0 $0x0, s1;
	[sflag:s0] =	ssyncset.done @!p0 $0x0  }
0x75: {  	[sflag:s0] =	ssyncadd.s32 @!p0 s1  }
0x76: {  	[bflag:$0x3] =	sbarrier.arrive $0xFFFF  }
0x77: {  	_ =	shalt  }

</sc_bundles>
